<compile_context>
chip_gen: v7x
topology: tpu7x:2x2x1
jax: 0.10.2.dev20260603
libtpu: 0.0.44.dev20260713+nightly
codegen_flags: <defaults>
</compile_context>

<pallas_src>
import functools

import numpy as np
import jax
import jax.numpy as jnp
from jax import lax
from jax.experimental import pallas as pl
from jax.experimental.pallas import tpu as pltpu
from jax.experimental.pallas import tpu_sc as plsc

_COV = [0.2, 0.31, 0.28, 1.28, 0.96, 0.84, 0.76, 0.71, 0.66, 0.57, 0.58, 1.66, 1.41, 1.21,
        1.11, 1.07, 1.05, 1.02, 1.06, 2.03, 1.76, 1.70, 1.60, 1.53, 1.39, 1.39, 1.32, 1.26,
        1.24, 1.32, 1.22, 1.22, 1.20, 1.19, 1.20, 1.20, 1.16, 2.20, 1.95, 1.90, 1.75, 1.64,
        1.54, 1.47, 1.46, 1.42, 1.39, 1.45, 1.44, 1.42, 1.39, 1.39, 1.38, 1.39, 1.40, 2.44,
        2.15, 2.07, 2.04, 2.03, 2.01, 1.99, 1.98, 1.98, 1.96, 1.94, 1.92, 1.92, 1.89, 1.90,
        1.87, 1.87, 1.75, 1.70, 1.62, 1.51, 1.44, 1.41, 1.36, 1.36, 1.32, 1.45, 1.46, 1.48,
        1.40, 1.50, 1.50, 2.60, 2.21, 2.15, 2.06, 2.00, 1.96, 1.90, 1.87, 1.80, 1.69]
_COV = _COV + [0.2] * (119 - len(_COV))
_COV_TABLE = np.asarray(_COV, dtype=np.float32)

_NW = 32
_CHUNK = 2048


def _node_radius_tc(attrs_t, cov_species):
    n_species = cov_species.shape[1]

    def body(attrs_ref, cov_ref, out_ref):
        best = attrs_ref[0:1, :]
        r = jnp.zeros_like(best) + cov_ref[0:1, 0:1]
        for sp in range(1, n_species):
            v = attrs_ref[sp:sp + 1, :]
            m = v > best
            best = jnp.where(m, v, best)
            r = jnp.where(m, cov_ref[0:1, sp:sp + 1], r)
        out_ref[...] = r

    return pl.pallas_call(
        body,
        out_shape=jax.ShapeDtypeStruct((1, attrs_t.shape[1]), jnp.float32),
    )(attrs_t, cov_species)


def _edge_transform_sc(node_r, ei3, x_flat, n_nodes, n_edges):
    nblk = _CHUNK // 128
    nchunks = n_edges // _CHUNK
    base_per_w = nchunks // _NW
    extra = nchunks % _NW
    gmax = base_per_w + (1 if extra else 0)
    mesh = plsc.VectorSubcoreMesh(core_axis_name="c", subcore_axis_name="s")

    @functools.partial(
        pl.kernel, mesh=mesh,
        out_type=jax.ShapeDtypeStruct((n_edges,), jnp.float32),
        compiler_params=pltpu.CompilerParams(
            needs_layout_passes=False, use_tc_tiling_on_sc=False),
        scratch_types=[
            pltpu.VMEM((n_nodes,), jnp.float32),
            pltpu.VMEM((2 * _CHUNK,), jnp.int32),
            pltpu.VMEM((2 * _CHUNK,), jnp.int32),
            pltpu.VMEM((_CHUNK,), jnp.float32), pltpu.VMEM((_CHUNK,), jnp.float32),
            pltpu.VMEM((_CHUNK,), jnp.float32), pltpu.VMEM((_CHUNK,), jnp.float32),
            pltpu.SemaphoreType.DMA, pltpu.SemaphoreType.DMA,
            pltpu.SemaphoreType.DMA, pltpu.SemaphoreType.DMA,
            pltpu.SemaphoreType.DMA,
        ],
    )
    def edge_kernel(noder_hbm, ei_hbm, x_hbm, out_hbm, table,
                    e0, e1, x0, x1, o0, o1,
                    si0, si1, so0, so1, semt):
        cid = lax.axis_index("c")
        sid = lax.axis_index("s")
        wid = sid * 2 + cid
        cstart = wid * base_per_w + jnp.minimum(wid, extra)

        def cidx(gi):
            return jnp.minimum(cstart + gi, nchunks - 1)

        slots = ((e0, x0, o0, si0, so0), (e1, x1, o1, si1, so1))

        def issue_in(b, ci):
            eb, xb, _, si, _ = slots[b]
            pltpu.async_copy(ei_hbm.at[pl.ds(ci * 2 * _CHUNK, 2 * _CHUNK)], eb, si)
            pltpu.async_copy(x_hbm.at[pl.ds(ci * _CHUNK, _CHUNK)], xb, si)

        def wait_in(b):
            eb, xb, _, si, _ = slots[b]
            pltpu.make_async_copy(ei_hbm.at[pl.ds(0, 2 * _CHUNK)], eb, si).wait()
            pltpu.make_async_copy(x_hbm.at[pl.ds(0, _CHUNK)], xb, si).wait()

        def wait_out(b):
            ob, so = slots[b][2], slots[b][4]
            pltpu.make_async_copy(ob, out_hbm.at[pl.ds(0, _CHUNK)], so).wait()

        tdesc = pltpu.async_copy(noder_hbm, table, semt)
        issue_in(0, cidx(0))
        issue_in(1, cidx(1))
        tdesc.wait()

        def outer(g, carry):
            for b in range(2):
                gi = g * 2 + b
                ci = cidx(gi)
                eb, xb, ob, si, so = slots[b]
                wait_in(b)

                @pl.when(g > 0)
                def _():
                    wait_out(b)

                @plsc.parallel_loop(0, _CHUNK // 16, unroll=8)
                def vec_body(j):
                    soff = j * 16 + (j >> 3) * 128
                    sv = eb[pl.ds(soff, 16)]
                    rv = eb[pl.ds(soff + 128, 16)]
                    r0 = plsc.load_gather(table, [sv]) + plsc.load_gather(table, [rv])
                    dsx = pl.ds(j * 16, 16)
                    xx = xb[dsx]
                    e = jnp.exp((100.0 / 7.0) - (96.0 / 7.0) * (xx / r0))
                    p0 = 0.75 * r0
                    ob[dsx] = (p0 * e + xx) / (1.0 + e)

                pltpu.async_copy(ob, out_hbm.at[pl.ds(ci * _CHUNK, _CHUNK)], so)
                issue_in(b, cidx(gi + 2))
            return carry

        lax.fori_loop(0, (gmax + 1) // 2, outer, 0)
        wait_in(0)
        wait_in(1)
        wait_out(0)
        wait_out(1)

    return edge_kernel(node_r, ei3, x_flat)


def kernel(x, node_attrs, edge_index, atomic_numbers):
    n_edges = x.shape[0]
    n_nodes, n_species = node_attrs.shape

    cov = jnp.asarray(_COV_TABLE)
    cov_species = cov[jnp.clip(atomic_numbers.astype(jnp.int32), 0, 118)]

    node_r = _node_radius_tc(node_attrs.T, cov_species.reshape(1, n_species))
    node_r = node_r.reshape(n_nodes)

    ei3 = (edge_index.astype(jnp.int32)
           .reshape(2, n_edges // 128, 128).transpose(1, 0, 2)
           .reshape(2 * n_edges))
    x_flat = x.reshape(n_edges)
    out = _edge_transform_sc(node_r, ei3, x_flat, n_nodes, n_edges)
    return out.reshape(n_edges, 1)

# --- scband reference (transcript-rebuilt; emitter-appended) ---
"""Pipeline reference for scband-soft-transform-21492016349380 (READ-ONLY COPY).

The authoritative reference and input builder live on the scoring server;
editing this copy changes nothing except your own understanding.
"""

import jax, jax.numpy as jnp
import numpy as np

# ase.data.covalent_radii (Cordero et al. 2008, as shipped with ASE); missing values = 0.2
_COV = [0.2, 0.31, 0.28, 1.28, 0.96, 0.84, 0.76, 0.71, 0.66, 0.57, 0.58, 1.66, 1.41, 1.21,
        1.11, 1.07, 1.05, 1.02, 1.06, 2.03, 1.76, 1.70, 1.60, 1.53, 1.39, 1.39, 1.32, 1.26,
        1.24, 1.32, 1.22, 1.22, 1.20, 1.19, 1.20, 1.20, 1.16, 2.20, 1.95, 1.90, 1.75, 1.64,
        1.54, 1.47, 1.46, 1.42, 1.39, 1.45, 1.44, 1.42, 1.39, 1.39, 1.38, 1.39, 1.40, 2.44,
        2.15, 2.07, 2.04, 2.03, 2.01, 1.99, 1.98, 1.98, 1.96, 1.94, 1.92, 1.92, 1.89, 1.90,
        1.87, 1.87, 1.75, 1.70, 1.62, 1.51, 1.44, 1.41, 1.36, 1.36, 1.32, 1.45, 1.46, 1.48,
        1.40, 1.50, 1.50, 2.60, 2.21, 2.15, 2.06, 2.00, 1.96, 1.90, 1.87, 1.80, 1.69]
_COV = _COV + [0.2] * (119 - len(_COV))
COVALENT_RADII = jnp.array(np.asarray(_COV, dtype=np.float32))

INIT_ALPHA = 4.0
N_NODES = 100000
N_EDGES = 6400000
N_SPECIES = 10


def setup_inputs(seed: int = 0) -> dict:
    key = jax.random.key(seed)
    k1, k2, k3, k4 = jax.random.split(key, 4)
    x = jax.random.uniform(k1, (N_EDGES, 1), dtype=jnp.float32)
    node_attrs = jax.random.uniform(k2, (N_NODES, N_SPECIES), dtype=jnp.float32)
    edge_index = jax.random.randint(k3, (2, N_EDGES), 0, N_NODES, dtype=jnp.int64) if jax.config.jax_enable_x64 else jax.random.randint(k3, (2, N_EDGES), 0, N_NODES).astype(jnp.int32)
    atomic_numbers = jax.random.randint(k4, (N_SPECIES,), 0, 95).astype(jnp.int32)
    return {"x": x, "node_attrs": node_attrs, "edge_index": edge_index, "atomic_numbers": atomic_numbers}


def reference(x, node_attrs, edge_index, atomic_numbers):
    sender = edge_index[0]
    receiver = edge_index[1]
    # embedding-style gathers: per-node one-hot -> atomic number, then per-edge lookups
    node_atomic_numbers = atomic_numbers[jnp.argmax(node_attrs, axis=1)].reshape(-1, 1)
    Z_u = node_atomic_numbers[sender].astype(jnp.int32)
    Z_v = node_atomic_numbers[receiver].astype(jnp.int32)
    r_0 = COVALENT_RADII[Z_u] + COVALENT_RADII[Z_v]
    p_0 = 3.0 / 4.0 * r_0
    p_1 = 4.0 / 3.0 * r_0
    m = 0.5 * (p_0 + p_1)
    alpha = jnp.array(INIT_ALPHA, dtype=x.dtype) / (p_1 - p_0)
    s_x = 0.5 * (1.0 + jnp.tanh(alpha * (x - m)))
    return p_0 + (x - p_0) * s_x

if __name__ == "__main__":
    import jax
    _d = setup_inputs()
    print(jax.jit(kernel)(*tuple(_d.values())))

</pallas_src>

<mosaic_0001>
#map = affine_map<(d0, d1) -> (0)>
module attributes {stable_mosaic.version = 14 : i64} {
  func.func @edge_kernel(%arg0: i32, %arg1: i32, %arg2: memref<100000xf32, #tpu.memory_space<hbm>>, %arg3: memref<12800000xi32, #tpu.memory_space<hbm>>, %arg4: memref<6400000xf32, #tpu.memory_space<hbm>>, %arg5: memref<6400000xf32, #tpu.memory_space<hbm>>, %arg6: memref<100000xf32, #tpu.memory_space<vmem>>, %arg7: memref<4096xi32, #tpu.memory_space<vmem>>, %arg8: memref<4096xi32, #tpu.memory_space<vmem>>, %arg9: memref<2048xf32, #tpu.memory_space<vmem>>, %arg10: memref<2048xf32, #tpu.memory_space<vmem>>, %arg11: memref<2048xf32, #tpu.memory_space<vmem>>, %arg12: memref<2048xf32, #tpu.memory_space<vmem>>, %arg13: memref<!tpu.dma_semaphore, #tpu.memory_space<semaphore_mem>>, %arg14: memref<!tpu.dma_semaphore, #tpu.memory_space<semaphore_mem>>, %arg15: memref<!tpu.dma_semaphore, #tpu.memory_space<semaphore_mem>>, %arg16: memref<!tpu.dma_semaphore, #tpu.memory_space<semaphore_mem>>, %arg17: memref<!tpu.dma_semaphore, #tpu.memory_space<semaphore_mem>>) attributes {dimension_semantics = [#tpu.dimension_semantics<core_parallel>, #tpu.dimension_semantics<subcore_parallel>], iteration_bounds = array<i64: 2, 16>, scalar_prefetch = 0 : i64, scratch_operands = 12 : i64, tpu.core_type = #tpu.core_type<sc_vector_subcore>, window_params = [{transform_indices = #map}, {transform_indices = #map}, {transform_indices = #map}, {transform_indices = #map}]} {
    %mul3A = arith.constant 2 : i32
    %mul3A_0 = arith.muli %arg1, %mul3A : i32
    %add3A = arith.addi %mul3A_0, %arg0 : i32
    %mul3A_1 = arith.constant 97 : i32
    %mul3A_2 = arith.muli %add3A, %mul3A_1 : i32
    %min3A = arith.constant 21 : i32
    %min3A_3 = arith.minsi %add3A, %min3A : i32
    %add3A_4 = arith.addi %mul3A_2, %min3A_3 : i32
    tpu.enqueue_dma source(%arg2 : memref<100000xf32, #tpu.memory_space<hbm>>) target(%arg6 : memref<100000xf32, #tpu.memory_space<vmem>>) target_semaphore(%arg17 : memref<!tpu.dma_semaphore, #tpu.memory_space<semaphore_mem>>)
    %add3A_5 = arith.constant 0 : i32
    %add3A_6 = arith.addi %add3A_4, %add3A_5 : i32
    %min3A_7 = arith.constant 3124 : i32
    %min3A_8 = arith.minsi %add3A_6, %min3A_7 : i32
    %mul3A_9 = arith.constant 2 : i32
    %mul3A_10 = arith.muli %min3A_8, %mul3A_9 : i32
    %mul3A_11 = arith.constant 2048 : i32
    %mul3A_12 = arith.muli %mul3A_10, %mul3A_11 : i32
    %dma_start3A = tpu.memref_slice %arg3[%mul3A_12] : memref<12800000xi32, #tpu.memory_space<hbm>> -> memref<4096xi32, #tpu.memory_space<hbm>>
    %dma_start3A_13 = tpu.memref_slice %arg3[%mul3A_12] : memref<12800000xi32, #tpu.memory_space<hbm>> -> memref<4096xi32, #tpu.memory_space<hbm>>
    tpu.enqueue_dma source(%dma_start3A_13 : memref<4096xi32, #tpu.memory_space<hbm>>) target(%arg7 : memref<4096xi32, #tpu.memory_space<vmem>>) target_semaphore(%arg13 : memref<!tpu.dma_semaphore, #tpu.memory_space<semaphore_mem>>)
    %mul3A_14 = arith.constant 2048 : i32
    %mul3A_15 = arith.muli %min3A_8, %mul3A_14 : i32
    %dma_start3A_16 = tpu.memref_slice %arg4[%mul3A_15] : memref<6400000xf32, #tpu.memory_space<hbm>> -> memref<2048xf32, #tpu.memory_space<hbm>>
    %dma_start3A_17 = tpu.memref_slice %arg4[%mul3A_15] : memref<6400000xf32, #tpu.memory_space<hbm>> -> memref<2048xf32, #tpu.memory_space<hbm>>
    tpu.enqueue_dma source(%dma_start3A_17 : memref<2048xf32, #tpu.memory_space<hbm>>) target(%arg9 : memref<2048xf32, #tpu.memory_space<vmem>>) target_semaphore(%arg13 : memref<!tpu.dma_semaphore, #tpu.memory_space<semaphore_mem>>)
    %add3A_18 = arith.constant 1 : i32
    %add3A_19 = arith.addi %add3A_4, %add3A_18 : i32
    %min3A_20 = arith.constant 3124 : i32
    %min3A_21 = arith.minsi %add3A_19, %min3A_20 : i32
    %mul3A_22 = arith.constant 2 : i32
    %mul3A_23 = arith.muli %min3A_21, %mul3A_22 : i32
    %mul3A_24 = arith.constant 2048 : i32
    %mul3A_25 = arith.muli %mul3A_23, %mul3A_24 : i32
    %dma_start3A_26 = tpu.memref_slice %arg3[%mul3A_25] : memref<12800000xi32, #tpu.memory_space<hbm>> -> memref<4096xi32, #tpu.memory_space<hbm>>
    %dma_start3A_27 = tpu.memref_slice %arg3[%mul3A_25] : memref<12800000xi32, #tpu.memory_space<hbm>> -> memref<4096xi32, #tpu.memory_space<hbm>>
    tpu.enqueue_dma source(%dma_start3A_27 : memref<4096xi32, #tpu.memory_space<hbm>>) target(%arg8 : memref<4096xi32, #tpu.memory_space<vmem>>) target_semaphore(%arg14 : memref<!tpu.dma_semaphore, #tpu.memory_space<semaphore_mem>>)
    %mul3A_28 = arith.constant 2048 : i32
    %mul3A_29 = arith.muli %min3A_21, %mul3A_28 : i32
    %dma_start3A_30 = tpu.memref_slice %arg4[%mul3A_29] : memref<6400000xf32, #tpu.memory_space<hbm>> -> memref<2048xf32, #tpu.memory_space<hbm>>
    %dma_start3A_31 = tpu.memref_slice %arg4[%mul3A_29] : memref<6400000xf32, #tpu.memory_space<hbm>> -> memref<2048xf32, #tpu.memory_space<hbm>>
    tpu.enqueue_dma source(%dma_start3A_31 : memref<2048xf32, #tpu.memory_space<hbm>>) target(%arg10 : memref<2048xf32, #tpu.memory_space<vmem>>) target_semaphore(%arg14 : memref<!tpu.dma_semaphore, #tpu.memory_space<semaphore_mem>>)
    tpu.wait_dma2 semaphore(%arg17 : memref<!tpu.dma_semaphore, #tpu.memory_space<semaphore_mem>>) src(%arg2 : memref<100000xf32, #tpu.memory_space<hbm>>) dst(%arg6 : memref<100000xf32, #tpu.memory_space<vmem>>)
    %scan3A = arith.constant 0 : i32
    %scan3A_32 = arith.constant 0 : i32
    %scan3A_33 = arith.constant 49 : i32
    %scan3A_34 = arith.addi %scan3A_32, %scan3A_33 : i32
    %scan3A_35 = arith.constant 1 : i32
    scf.for %scan3A_60 = %scan3A_32 to %scan3A_34 step %scan3A_35  : i32 {
      %mul3A_61 = arith.constant 2 : i32
      %mul3A_62 = arith.muli %scan3A_60, %mul3A_61 : i32
      %add3A_63 = arith.constant 0 : i32
      %add3A_64 = arith.addi %mul3A_62, %add3A_63 : i32
      %add3A_65 = arith.addi %add3A_4, %add3A_64 : i32
      %min3A_66 = arith.constant 3124 : i32
      %min3A_67 = arith.minsi %add3A_65, %min3A_66 : i32
      %dma_wait3A_68 = arith.constant 0 : i32
      %dma_wait3A_69 = tpu.memref_slice %arg3[%dma_wait3A_68] : memref<12800000xi32, #tpu.memory_space<hbm>> -> memref<4096xi32, #tpu.memory_space<hbm>>
      %dma_wait3A_70 = arith.constant 0 : i32
      %dma_wait3A_71 = tpu.memref_slice %arg3[%dma_wait3A_70] : memref<12800000xi32, #tpu.memory_space<hbm>> -> memref<4096xi32, #tpu.memory_space<hbm>>
      tpu.wait_dma2 semaphore(%arg13 : memref<!tpu.dma_semaphore, #tpu.memory_space<semaphore_mem>>) src(%dma_wait3A_71 : memref<4096xi32, #tpu.memory_space<hbm>>) dst(%arg7 : memref<4096xi32, #tpu.memory_space<vmem>>)
      %dma_wait3A_72 = arith.constant 0 : i32
      %dma_wait3A_73 = tpu.memref_slice %arg4[%dma_wait3A_72] : memref<6400000xf32, #tpu.memory_space<hbm>> -> memref<2048xf32, #tpu.memory_space<hbm>>
      %dma_wait3A_74 = arith.constant 0 : i32
      %dma_wait3A_75 = tpu.memref_slice %arg4[%dma_wait3A_74] : memref<6400000xf32, #tpu.memory_space<hbm>> -> memref<2048xf32, #tpu.memory_space<hbm>>
      tpu.wait_dma2 semaphore(%arg13 : memref<!tpu.dma_semaphore, #tpu.memory_space<semaphore_mem>>) src(%dma_wait3A_75 : memref<2048xf32, #tpu.memory_space<hbm>>) dst(%arg9 : memref<2048xf32, #tpu.memory_space<vmem>>)
      %gt3A = arith.constant 0 : i32
      %gt3A_76 = arith.cmpi sgt, %scan3A_60, %gt3A : i32
      %convert_element_type3A = arith.extui %gt3A_76 : i1 to i32
      %cond3A = arith.constant 0 : i32
      %cond3A_77 = arith.cmpi ne, %convert_element_type3A, %cond3A : i32
      scf.if %cond3A_77 {
        %dma_wait3A_141 = arith.constant 0 : i32
        %dma_wait3A_142 = tpu.memref_slice %arg5[%dma_wait3A_141] : memref<6400000xf32, #tpu.memory_space<hbm>> -> memref<2048xf32, #tpu.memory_space<hbm>>
        %dma_wait3A_143 = arith.constant 0 : i32
        %dma_wait3A_144 = tpu.memref_slice %arg5[%dma_wait3A_143] : memref<6400000xf32, #tpu.memory_space<hbm>> -> memref<2048xf32, #tpu.memory_space<hbm>>
        tpu.wait_dma2 semaphore(%arg15 : memref<!tpu.dma_semaphore, #tpu.memory_space<semaphore_mem>>) src(%arg11 : memref<2048xf32, #tpu.memory_space<vmem>>) dst(%dma_wait3A_144 : memref<2048xf32, #tpu.memory_space<hbm>>)
      } else {
      }
      %parallel_loop3A = arith.constant 0 : i32
      %parallel_loop3A_78 = arith.constant 128 : i32
      %parallel_loop3A_79 = arith.constant 1 : i32
      scf.for %parallel_loop3A_141 = %parallel_loop3A to %parallel_loop3A_78 step %parallel_loop3A_79  : i32 {
        %parallel_loop3A_142 = arith.constant 16 : i32
        %parallel_loop3A_143 = arith.muli %parallel_loop3A_141, %parallel_loop3A_142 : i32
        %parallel_loop3A_144 = arith.constant 3 : i32
        %parallel_loop3A_145 = arith.shrsi %parallel_loop3A_141, %parallel_loop3A_144 : i32
        %parallel_loop3A_146 = arith.constant 128 : i32
        %parallel_loop3A_147 = arith.muli %parallel_loop3A_145, %parallel_loop3A_146 : i32
        %parallel_loop3A_148 = arith.addi %parallel_loop3A_143, %parallel_loop3A_147 : i32
        %parallel_loop3A_149 = arith.index_cast %parallel_loop3A_148 : i32 to index
        %parallel_loop3A_150 = tpu.vector_load %arg7[%parallel_loop3A_149] {strides = array<i32>} : memref<4096xi32, #tpu.memory_space<vmem>>, vector<16xi32>,
        %parallel_loop3A_151 = arith.constant 128 : i32
        %parallel_loop3A_152 = arith.addi %parallel_loop3A_148, %parallel_loop3A_151 : i32
        %parallel_loop3A_153 = arith.index_cast %parallel_loop3A_152 : i32 to index
        %parallel_loop3A_154 = tpu.vector_load %arg7[%parallel_loop3A_153] {strides = array<i32>} : memref<4096xi32, #tpu.memory_space<vmem>>, vector<16xi32>,
        %parallel_loop3A_155 = tpu.vector_load_idx %arg6[%parallel_loop3A_150] : memref<100000xf32, #tpu.memory_space<vmem>>[vector<16xi32>], vector<16xf32>,
        %parallel_loop3A_156 = tpu.vector_load_idx %arg6[%parallel_loop3A_154] : memref<100000xf32, #tpu.memory_space<vmem>>[vector<16xi32>], vector<16xf32>,
        %parallel_loop3A_157 = arith.addf %parallel_loop3A_155, %parallel_loop3A_156 : vector<16xf32>
        %parallel_loop3A_158 = arith.constant 16 : i32
        %parallel_loop3A_159 = arith.muli %parallel_loop3A_141, %parallel_loop3A_158 : i32
        %parallel_loop3A_160 = arith.index_cast %parallel_loop3A_159 : i32 to index
        %parallel_loop3A_161 = tpu.vector_load %arg9[%parallel_loop3A_160] {strides = array<i32>} : memref<2048xf32, #tpu.memory_space<vmem>>, vector<16xf32>,
        %parallel_loop3A_162 = arith.divf %parallel_loop3A_161, %parallel_loop3A_157 : vector<16xf32>
        %parallel_loop3A_163 = arith.constant 13.7142859 : f32
        %parallel_loop3A_164 = vector.broadcast %parallel_loop3A_163 : f32 to vector<16xf32>
        %parallel_loop3A_165 = arith.mulf %parallel_loop3A_164, %parallel_loop3A_162 : vector<16xf32>
        %parallel_loop3A_166 = arith.constant 14.2857141 : f32
        %parallel_loop3A_167 = vector.broadcast %parallel_loop3A_166 : f32 to vector<16xf32>
        %parallel_loop3A_168 = arith.subf %parallel_loop3A_167, %parallel_loop3A_165 : vector<16xf32>
        %parallel_loop3A_169 = math.exp %parallel_loop3A_168 : vector<16xf32>
        %parallel_loop3A_170 = arith.constant 7.500000e-01 : f32
        %parallel_loop3A_171 = vector.broadcast %parallel_loop3A_170 : f32 to vector<16xf32>
        %parallel_loop3A_172 = arith.mulf %parallel_loop3A_171, %parallel_loop3A_157 : vector<16xf32>
        %parallel_loop3A_173 = arith.mulf %parallel_loop3A_172, %parallel_loop3A_169 : vector<16xf32>
        %parallel_loop3A_174 = arith.addf %parallel_loop3A_173, %parallel_loop3A_161 : vector<16xf32>
        %parallel_loop3A_175 = arith.constant 1.000000e+00 : f32
        %parallel_loop3A_176 = vector.broadcast %parallel_loop3A_175 : f32 to vector<16xf32>
        %parallel_loop3A_177 = arith.addf %parallel_loop3A_176, %parallel_loop3A_169 : vector<16xf32>
        %parallel_loop3A_178 = arith.divf %parallel_loop3A_174, %parallel_loop3A_177 : vector<16xf32>
        %parallel_loop3A_179 = arith.index_cast %parallel_loop3A_159 : i32 to index
        %parallel_loop3A_180 = tpu.vector_load %arg11[%parallel_loop3A_179] {strides = array<i32>} : memref<2048xf32, #tpu.memory_space<vmem>>, vector<16xf32>,
        tpu.vector_store %arg11[%parallel_loop3A_179], %parallel_loop3A_178 {strides = array<i32>} : memref<2048xf32, #tpu.memory_space<vmem>>, vector<16xf32>,
      } {sc.loop_unroll_factor = 8 : i64, sc.parallel_access}
      %mul3A_80 = arith.constant 2048 : i32
      %mul3A_81 = arith.muli %min3A_67, %mul3A_80 : i32
      %dma_start3A_82 = tpu.memref_slice %arg5[%mul3A_81] : memref<6400000xf32, #tpu.memory_space<hbm>> -> memref<2048xf32, #tpu.memory_space<hbm>>
      %dma_start3A_83 = tpu.memref_slice %arg5[%mul3A_81] : memref<6400000xf32, #tpu.memory_space<hbm>> -> memref<2048xf32, #tpu.memory_space<hbm>>
      tpu.enqueue_dma source(%arg11 : memref<2048xf32, #tpu.memory_space<vmem>>) target(%dma_start3A_83 : memref<2048xf32, #tpu.memory_space<hbm>>) target_semaphore(%arg15 : memref<!tpu.dma_semaphore, #tpu.memory_space<semaphore_mem>>)
      %add3A_84 = arith.constant 2 : i32
      %add3A_85 = arith.addi %add3A_64, %add3A_84 : i32
      %add3A_86 = arith.addi %add3A_4, %add3A_85 : i32
      %min3A_87 = arith.constant 3124 : i32
      %min3A_88 = arith.minsi %add3A_86, %min3A_87 : i32
      %mul3A_89 = arith.constant 2 : i32
      %mul3A_90 = arith.muli %min3A_88, %mul3A_89 : i32
      %mul3A_91 = arith.constant 2048 : i32
      %mul3A_92 = arith.muli %mul3A_90, %mul3A_91 : i32
      %dma_start3A_93 = tpu.memref_slice %arg3[%mul3A_92] : memref<12800000xi32, #tpu.memory_space<hbm>> -> memref<4096xi32, #tpu.memory_space<hbm>>
      %dma_start3A_94 = tpu.memref_slice %arg3[%mul3A_92] : memref<12800000xi32, #tpu.memory_space<hbm>> -> memref<4096xi32, #tpu.memory_space<hbm>>
      tpu.enqueue_dma source(%dma_start3A_94 : memref<4096xi32, #tpu.memory_space<hbm>>) target(%arg7 : memref<4096xi32, #tpu.memory_space<vmem>>) target_semaphore(%arg13 : memref<!tpu.dma_semaphore, #tpu.memory_space<semaphore_mem>>)
      %mul3A_95 = arith.constant 2048 : i32
      %mul3A_96 = arith.muli %min3A_88, %mul3A_95 : i32
      %dma_start3A_97 = tpu.memref_slice %arg4[%mul3A_96] : memref<6400000xf32, #tpu.memory_space<hbm>> -> memref<2048xf32, #tpu.memory_space<hbm>>
      %dma_start3A_98 = tpu.memref_slice %arg4[%mul3A_96] : memref<6400000xf32, #tpu.memory_space<hbm>> -> memref<2048xf32, #tpu.memory_space<hbm>>
      tpu.enqueue_dma source(%dma_start3A_98 : memref<2048xf32, #tpu.memory_space<hbm>>) target(%arg9 : memref<2048xf32, #tpu.memory_space<vmem>>) target_semaphore(%arg13 : memref<!tpu.dma_semaphore, #tpu.memory_space<semaphore_mem>>)
      %mul3A_99 = arith.constant 2 : i32
      %mul3A_100 = arith.muli %scan3A_60, %mul3A_99 : i32
      %add3A_101 = arith.constant 1 : i32
      %add3A_102 = arith.addi %mul3A_100, %add3A_101 : i32
      %add3A_103 = arith.addi %add3A_4, %add3A_102 : i32
      %min3A_104 = arith.constant 3124 : i32
      %min3A_105 = arith.minsi %add3A_103, %min3A_104 : i32
      %dma_wait3A_106 = arith.constant 0 : i32
      %dma_wait3A_107 = tpu.memref_slice %arg3[%dma_wait3A_106] : memref<12800000xi32, #tpu.memory_space<hbm>> -> memref<4096xi32, #tpu.memory_space<hbm>>
      %dma_wait3A_108 = arith.constant 0 : i32
      %dma_wait3A_109 = tpu.memref_slice %arg3[%dma_wait3A_108] : memref<12800000xi32, #tpu.memory_space<hbm>> -> memref<4096xi32, #tpu.memory_space<hbm>>
      tpu.wait_dma2 semaphore(%arg14 : memref<!tpu.dma_semaphore, #tpu.memory_space<semaphore_mem>>) src(%dma_wait3A_109 : memref<4096xi32, #tpu.memory_space<hbm>>) dst(%arg8 : memref<4096xi32, #tpu.memory_space<vmem>>)
      %dma_wait3A_110 = arith.constant 0 : i32
      %dma_wait3A_111 = tpu.memref_slice %arg4[%dma_wait3A_110] : memref<6400000xf32, #tpu.memory_space<hbm>> -> memref<2048xf32, #tpu.memory_space<hbm>>
      %dma_wait3A_112 = arith.constant 0 : i32
      %dma_wait3A_113 = tpu.memref_slice %arg4[%dma_wait3A_112] : memref<6400000xf32, #tpu.memory_space<hbm>> -> memref<2048xf32, #tpu.memory_space<hbm>>
      tpu.wait_dma2 semaphore(%arg14 : memref<!tpu.dma_semaphore, #tpu.memory_space<semaphore_mem>>) src(%dma_wait3A_113 : memref<2048xf32, #tpu.memory_space<hbm>>) dst(%arg10 : memref<2048xf32, #tpu.memory_space<vmem>>)
      %gt3A_114 = arith.constant 0 : i32
      %gt3A_115 = arith.cmpi sgt, %scan3A_60, %gt3A_114 : i32
      %convert_element_type3A_116 = arith.extui %gt3A_115 : i1 to i32
      %cond3A_117 = arith.constant 0 : i32
      %cond3A_118 = arith.cmpi ne, %convert_element_type3A_116, %cond3A_117 : i32
      scf.if %cond3A_118 {
        %dma_wait3A_141 = arith.constant 0 : i32
        %dma_wait3A_142 = tpu.memref_slice %arg5[%dma_wait3A_141] : memref<6400000xf32, #tpu.memory_space<hbm>> -> memref<2048xf32, #tpu.memory_space<hbm>>
        %dma_wait3A_143 = arith.constant 0 : i32
        %dma_wait3A_144 = tpu.memref_slice %arg5[%dma_wait3A_143] : memref<6400000xf32, #tpu.memory_space<hbm>> -> memref<2048xf32, #tpu.memory_space<hbm>>
        tpu.wait_dma2 semaphore(%arg16 : memref<!tpu.dma_semaphore, #tpu.memory_space<semaphore_mem>>) src(%arg12 : memref<2048xf32, #tpu.memory_space<vmem>>) dst(%dma_wait3A_144 : memref<2048xf32, #tpu.memory_space<hbm>>)
      } else {
      }
      %parallel_loop3A_119 = arith.constant 0 : i32
      %parallel_loop3A_120 = arith.constant 128 : i32
      %parallel_loop3A_121 = arith.constant 1 : i32
      scf.for %parallel_loop3A_141 = %parallel_loop3A_119 to %parallel_loop3A_120 step %parallel_loop3A_121  : i32 {
        %parallel_loop3A_142 = arith.constant 16 : i32
        %parallel_loop3A_143 = arith.muli %parallel_loop3A_141, %parallel_loop3A_142 : i32
        %parallel_loop3A_144 = arith.constant 3 : i32
        %parallel_loop3A_145 = arith.shrsi %parallel_loop3A_141, %parallel_loop3A_144 : i32
        %parallel_loop3A_146 = arith.constant 128 : i32
        %parallel_loop3A_147 = arith.muli %parallel_loop3A_145, %parallel_loop3A_146 : i32
        %parallel_loop3A_148 = arith.addi %parallel_loop3A_143, %parallel_loop3A_147 : i32
        %parallel_loop3A_149 = arith.index_cast %parallel_loop3A_148 : i32 to index
        %parallel_loop3A_150 = tpu.vector_load %arg8[%parallel_loop3A_149] {strides = array<i32>} : memref<4096xi32, #tpu.memory_space<vmem>>, vector<16xi32>,
        %parallel_loop3A_151 = arith.constant 128 : i32
        %parallel_loop3A_152 = arith.addi %parallel_loop3A_148, %parallel_loop3A_151 : i32
        %parallel_loop3A_153 = arith.index_cast %parallel_loop3A_152 : i32 to index
        %parallel_loop3A_154 = tpu.vector_load %arg8[%parallel_loop3A_153] {strides = array<i32>} : memref<4096xi32, #tpu.memory_space<vmem>>, vector<16xi32>,
        %parallel_loop3A_155 = tpu.vector_load_idx %arg6[%parallel_loop3A_150] : memref<100000xf32, #tpu.memory_space<vmem>>[vector<16xi32>], vector<16xf32>,
        %parallel_loop3A_156 = tpu.vector_load_idx %arg6[%parallel_loop3A_154] : memref<100000xf32, #tpu.memory_space<vmem>>[vector<16xi32>], vector<16xf32>,
        %parallel_loop3A_157 = arith.addf %parallel_loop3A_155, %parallel_loop3A_156 : vector<16xf32>
        %parallel_loop3A_158 = arith.constant 16 : i32
        %parallel_loop3A_159 = arith.muli %parallel_loop3A_141, %parallel_loop3A_158 : i32
        %parallel_loop3A_160 = arith.index_cast %parallel_loop3A_159 : i32 to index
        %parallel_loop3A_161 = tpu.vector_load %arg10[%parallel_loop3A_160] {strides = array<i32>} : memref<2048xf32, #tpu.memory_space<vmem>>, vector<16xf32>,
        %parallel_loop3A_162 = arith.divf %parallel_loop3A_161, %parallel_loop3A_157 : vector<16xf32>
        %parallel_loop3A_163 = arith.constant 13.7142859 : f32
        %parallel_loop3A_164 = vector.broadcast %parallel_loop3A_163 : f32 to vector<16xf32>
        %parallel_loop3A_165 = arith.mulf %parallel_loop3A_164, %parallel_loop3A_162 : vector<16xf32>
        %parallel_loop3A_166 = arith.constant 14.2857141 : f32
        %parallel_loop3A_167 = vector.broadcast %parallel_loop3A_166 : f32 to vector<16xf32>
        %parallel_loop3A_168 = arith.subf %parallel_loop3A_167, %parallel_loop3A_165 : vector<16xf32>
        %parallel_loop3A_169 = math.exp %parallel_loop3A_168 : vector<16xf32>
        %parallel_loop3A_170 = arith.constant 7.500000e-01 : f32
        %parallel_loop3A_171 = vector.broadcast %parallel_loop3A_170 : f32 to vector<16xf32>
        %parallel_loop3A_172 = arith.mulf %parallel_loop3A_171, %parallel_loop3A_157 : vector<16xf32>
        %parallel_loop3A_173 = arith.mulf %parallel_loop3A_172, %parallel_loop3A_169 : vector<16xf32>
        %parallel_loop3A_174 = arith.addf %parallel_loop3A_173, %parallel_loop3A_161 : vector<16xf32>
        %parallel_loop3A_175 = arith.constant 1.000000e+00 : f32
        %parallel_loop3A_176 = vector.broadcast %parallel_loop3A_175 : f32 to vector<16xf32>
        %parallel_loop3A_177 = arith.addf %parallel_loop3A_176, %parallel_loop3A_169 : vector<16xf32>
        %parallel_loop3A_178 = arith.divf %parallel_loop3A_174, %parallel_loop3A_177 : vector<16xf32>
        %parallel_loop3A_179 = arith.index_cast %parallel_loop3A_159 : i32 to index
        %parallel_loop3A_180 = tpu.vector_load %arg12[%parallel_loop3A_179] {strides = array<i32>} : memref<2048xf32, #tpu.memory_space<vmem>>, vector<16xf32>,
        tpu.vector_store %arg12[%parallel_loop3A_179], %parallel_loop3A_178 {strides = array<i32>} : memref<2048xf32, #tpu.memory_space<vmem>>, vector<16xf32>,
      } {sc.loop_unroll_factor = 8 : i64, sc.parallel_access}
      %mul3A_122 = arith.constant 2048 : i32
      %mul3A_123 = arith.muli %min3A_105, %mul3A_122 : i32
      %dma_start3A_124 = tpu.memref_slice %arg5[%mul3A_123] : memref<6400000xf32, #tpu.memory_space<hbm>> -> memref<2048xf32, #tpu.memory_space<hbm>>
      %dma_start3A_125 = tpu.memref_slice %arg5[%mul3A_123] : memref<6400000xf32, #tpu.memory_space<hbm>> -> memref<2048xf32, #tpu.memory_space<hbm>>
      tpu.enqueue_dma source(%arg12 : memref<2048xf32, #tpu.memory_space<vmem>>) target(%dma_start3A_125 : memref<2048xf32, #tpu.memory_space<hbm>>) target_semaphore(%arg16 : memref<!tpu.dma_semaphore, #tpu.memory_space<semaphore_mem>>)
      %add3A_126 = arith.constant 2 : i32
      %add3A_127 = arith.addi %add3A_102, %add3A_126 : i32
      %add3A_128 = arith.addi %add3A_4, %add3A_127 : i32
      %min3A_129 = arith.constant 3124 : i32
      %min3A_130 = arith.minsi %add3A_128, %min3A_129 : i32
      %mul3A_131 = arith.constant 2 : i32
      %mul3A_132 = arith.muli %min3A_130, %mul3A_131 : i32
      %mul3A_133 = arith.constant 2048 : i32
      %mul3A_134 = arith.muli %mul3A_132, %mul3A_133 : i32
      %dma_start3A_135 = tpu.memref_slice %arg3[%mul3A_134] : memref<12800000xi32, #tpu.memory_space<hbm>> -> memref<4096xi32, #tpu.memory_space<hbm>>
      %dma_start3A_136 = tpu.memref_slice %arg3[%mul3A_134] : memref<12800000xi32, #tpu.memory_space<hbm>> -> memref<4096xi32, #tpu.memory_space<hbm>>
      tpu.enqueue_dma source(%dma_start3A_136 : memref<4096xi32, #tpu.memory_space<hbm>>) target(%arg8 : memref<4096xi32, #tpu.memory_space<vmem>>) target_semaphore(%arg14 : memref<!tpu.dma_semaphore, #tpu.memory_space<semaphore_mem>>)
      %mul3A_137 = arith.constant 2048 : i32
      %mul3A_138 = arith.muli %min3A_130, %mul3A_137 : i32
      %dma_start3A_139 = tpu.memref_slice %arg4[%mul3A_138] : memref<6400000xf32, #tpu.memory_space<hbm>> -> memref<2048xf32, #tpu.memory_space<hbm>>
      %dma_start3A_140 = tpu.memref_slice %arg4[%mul3A_138] : memref<6400000xf32, #tpu.memory_space<hbm>> -> memref<2048xf32, #tpu.memory_space<hbm>>
      tpu.enqueue_dma source(%dma_start3A_140 : memref<2048xf32, #tpu.memory_space<hbm>>) target(%arg10 : memref<2048xf32, #tpu.memory_space<vmem>>) target_semaphore(%arg14 : memref<!tpu.dma_semaphore, #tpu.memory_space<semaphore_mem>>)
    }
    %scan3A_36 = arith.constant 49 : i32
    %dma_wait3A = arith.constant 0 : i32
    %dma_wait3A_37 = tpu.memref_slice %arg3[%dma_wait3A] : memref<12800000xi32, #tpu.memory_space<hbm>> -> memref<4096xi32, #tpu.memory_space<hbm>>
    %dma_wait3A_38 = arith.constant 0 : i32
    %dma_wait3A_39 = tpu.memref_slice %arg3[%dma_wait3A_38] : memref<12800000xi32, #tpu.memory_space<hbm>> -> memref<4096xi32, #tpu.memory_space<hbm>>
    tpu.wait_dma2 semaphore(%arg13 : memref<!tpu.dma_semaphore, #tpu.memory_space<semaphore_mem>>) src(%dma_wait3A_39 : memref<4096xi32, #tpu.memory_space<hbm>>) dst(%arg7 : memref<4096xi32, #tpu.memory_space<vmem>>)
    %dma_wait3A_40 = arith.constant 0 : i32
    %dma_wait3A_41 = tpu.memref_slice %arg4[%dma_wait3A_40] : memref<6400000xf32, #tpu.memory_space<hbm>> -> memref<2048xf32, #tpu.memory_space<hbm>>
    %dma_wait3A_42 = arith.constant 0 : i32
    %dma_wait3A_43 = tpu.memref_slice %arg4[%dma_wait3A_42] : memref<6400000xf32, #tpu.memory_space<hbm>> -> memref<2048xf32, #tpu.memory_space<hbm>>
    tpu.wait_dma2 semaphore(%arg13 : memref<!tpu.dma_semaphore, #tpu.memory_space<semaphore_mem>>) src(%dma_wait3A_43 : memref<2048xf32, #tpu.memory_space<hbm>>) dst(%arg9 : memref<2048xf32, #tpu.memory_space<vmem>>)
    %dma_wait3A_44 = arith.constant 0 : i32
    %dma_wait3A_45 = tpu.memref_slice %arg3[%dma_wait3A_44] : memref<12800000xi32, #tpu.memory_space<hbm>> -> memref<4096xi32, #tpu.memory_space<hbm>>
    %dma_wait3A_46 = arith.constant 0 : i32
    %dma_wait3A_47 = tpu.memref_slice %arg3[%dma_wait3A_46] : memref<12800000xi32, #tpu.memory_space<hbm>> -> memref<4096xi32, #tpu.memory_space<hbm>>
    tpu.wait_dma2 semaphore(%arg14 : memref<!tpu.dma_semaphore, #tpu.memory_space<semaphore_mem>>) src(%dma_wait3A_47 : memref<4096xi32, #tpu.memory_space<hbm>>) dst(%arg8 : memref<4096xi32, #tpu.memory_space<vmem>>)
    %dma_wait3A_48 = arith.constant 0 : i32
    %dma_wait3A_49 = tpu.memref_slice %arg4[%dma_wait3A_48] : memref<6400000xf32, #tpu.memory_space<hbm>> -> memref<2048xf32, #tpu.memory_space<hbm>>
    %dma_wait3A_50 = arith.constant 0 : i32
    %dma_wait3A_51 = tpu.memref_slice %arg4[%dma_wait3A_50] : memref<6400000xf32, #tpu.memory_space<hbm>> -> memref<2048xf32, #tpu.memory_space<hbm>>
    tpu.wait_dma2 semaphore(%arg14 : memref<!tpu.dma_semaphore, #tpu.memory_space<semaphore_mem>>) src(%dma_wait3A_51 : memref<2048xf32, #tpu.memory_space<hbm>>) dst(%arg10 : memref<2048xf32, #tpu.memory_space<vmem>>)
    %dma_wait3A_52 = arith.constant 0 : i32
    %dma_wait3A_53 = tpu.memref_slice %arg5[%dma_wait3A_52] : memref<6400000xf32, #tpu.memory_space<hbm>> -> memref<2048xf32, #tpu.memory_space<hbm>>
    %dma_wait3A_54 = arith.constant 0 : i32
    %dma_wait3A_55 = tpu.memref_slice %arg5[%dma_wait3A_54] : memref<6400000xf32, #tpu.memory_space<hbm>> -> memref<2048xf32, #tpu.memory_space<hbm>>
    tpu.wait_dma2 semaphore(%arg15 : memref<!tpu.dma_semaphore, #tpu.memory_space<semaphore_mem>>) src(%arg11 : memref<2048xf32, #tpu.memory_space<vmem>>) dst(%dma_wait3A_55 : memref<2048xf32, #tpu.memory_space<hbm>>)
    %dma_wait3A_56 = arith.constant 0 : i32
    %dma_wait3A_57 = tpu.memref_slice %arg5[%dma_wait3A_56] : memref<6400000xf32, #tpu.memory_space<hbm>> -> memref<2048xf32, #tpu.memory_space<hbm>>
    %dma_wait3A_58 = arith.constant 0 : i32
    %dma_wait3A_59 = tpu.memref_slice %arg5[%dma_wait3A_58] : memref<6400000xf32, #tpu.memory_space<hbm>> -> memref<2048xf32, #tpu.memory_space<hbm>>
    tpu.wait_dma2 semaphore(%arg16 : memref<!tpu.dma_semaphore, #tpu.memory_space<semaphore_mem>>) src(%arg12 : memref<2048xf32, #tpu.memory_space<vmem>>) dst(%dma_wait3A_59 : memref<2048xf32, #tpu.memory_space<hbm>>)
    return
  }
}

module attributes {stable_mosaic.version = 14 : i64} {
  func.func @body(%arg0: memref<10x100000xf32, #tpu.memory_space<vmem>>, %arg1: memref<1x10xf32, #tpu.memory_space<vmem>>, %arg2: memref<1x100000xf32, #tpu.memory_space<vmem>>) attributes {dimension_semantics = [], scalar_prefetch = 0 : i64, scratch_operands = 0 : i64, tpu.core_type = #tpu.core_type<tc>} {
    %get3A = arith.constant 0 : index
    %get3A_0 = arith.constant 0 : index
    %get3A_1 = vector.load %arg0[%get3A, %get3A_0] : memref<10x100000xf32, #tpu.memory_space<vmem>>, vector<1x100000xf32>
    %broadcast_in_dim3A = arith.constant 0.000000e+00 : f32
    %broadcast_in_dim3A_2 = vector.broadcast %broadcast_in_dim3A : f32 to vector<1x100000xf32>
    %get3A_3 = arith.constant 0 : index
    %get3A_4 = arith.constant 0 : index
    %get3A_5 = vector.load %arg1[%get3A_3, %get3A_4] : memref<1x10xf32, #tpu.memory_space<vmem>>, vector<1x1xf32>
    %add3A = vector.broadcast %get3A_5 : vector<1x1xf32> to vector<1x100000xf32>
    %add3A_6 = arith.addf %broadcast_in_dim3A_2, %add3A : vector<1x100000xf32>
    %get3A_7 = arith.constant 1 : index
    %get3A_8 = arith.constant 0 : index
    %get3A_9 = vector.load %arg0[%get3A_7, %get3A_8] : memref<10x100000xf32, #tpu.memory_space<vmem>>, vector<1x100000xf32>
    %gt3A = arith.cmpf ogt, %get3A_9, %get3A_1 : vector<1x100000xf32>
    %select_n3A = arith.select %gt3A, %get3A_9, %get3A_1 : vector<1x100000xi1>, vector<1x100000xf32>
    %get3A_10 = arith.constant 0 : index
    %get3A_11 = arith.constant 1 : index
    %get3A_12 = vector.load %arg1[%get3A_10, %get3A_11] : memref<1x10xf32, #tpu.memory_space<vmem>>, vector<1x1xf32>
    %broadcast_in_dim3A_13 = vector.shape_cast %get3A_12 : vector<1x1xf32> to vector<1x1xf32>
    %broadcast_in_dim3A_14 = vector.broadcast %broadcast_in_dim3A_13 : vector<1x1xf32> to vector<1x100000xf32>
    %select_n3A_15 = arith.select %gt3A, %broadcast_in_dim3A_14, %add3A_6 : vector<1x100000xi1>, vector<1x100000xf32>
    %get3A_16 = arith.constant 2 : index
    %get3A_17 = arith.constant 0 : index
    %get3A_18 = vector.load %arg0[%get3A_16, %get3A_17] : memref<10x100000xf32, #tpu.memory_space<vmem>>, vector<1x100000xf32>
    %gt3A_19 = arith.cmpf ogt, %get3A_18, %select_n3A : vector<1x100000xf32>
    %select_n3A_20 = arith.select %gt3A_19, %get3A_18, %select_n3A : vector<1x100000xi1>, vector<1x100000xf32>
    %get3A_21 = arith.constant 0 : index
    %get3A_22 = arith.constant 2 : index
    %get3A_23 = vector.load %arg1[%get3A_21, %get3A_22] : memref<1x10xf32, #tpu.memory_space<vmem>>, vector<1x1xf32>
    %broadcast_in_dim3A_24 = vector.shape_cast %get3A_23 : vector<1x1xf32> to vector<1x1xf32>
    %broadcast_in_dim3A_25 = vector.broadcast %broadcast_in_dim3A_24 : vector<1x1xf32> to vector<1x100000xf32>
    %select_n3A_26 = arith.select %gt3A_19, %broadcast_in_dim3A_25, %select_n3A_15 : vector<1x100000xi1>, vector<1x100000xf32>
    %get3A_27 = arith.constant 3 : index
    %get3A_28 = arith.constant 0 : index
    %get3A_29 = vector.load %arg0[%get3A_27, %get3A_28] : memref<10x100000xf32, #tpu.memory_space<vmem>>, vector<1x100000xf32>
    %gt3A_30 = arith.cmpf ogt, %get3A_29, %select_n3A_20 : vector<1x100000xf32>
    %select_n3A_31 = arith.select %gt3A_30, %get3A_29, %select_n3A_20 : vector<1x100000xi1>, vector<1x100000xf32>
    %get3A_32 = arith.constant 0 : index
    %get3A_33 = arith.constant 3 : index
    %get3A_34 = vector.load %arg1[%get3A_32, %get3A_33] : memref<1x10xf32, #tpu.memory_space<vmem>>, vector<1x1xf32>
    %broadcast_in_dim3A_35 = vector.shape_cast %get3A_34 : vector<1x1xf32> to vector<1x1xf32>
    %broadcast_in_dim3A_36 = vector.broadcast %broadcast_in_dim3A_35 : vector<1x1xf32> to vector<1x100000xf32>
    %select_n3A_37 = arith.select %gt3A_30, %broadcast_in_dim3A_36, %select_n3A_26 : vector<1x100000xi1>, vector<1x100000xf32>
    %get3A_38 = arith.constant 4 : index
    %get3A_39 = arith.constant 0 : index
    %get3A_40 = vector.load %arg0[%get3A_38, %get3A_39] : memref<10x100000xf32, #tpu.memory_space<vmem>>, vector<1x100000xf32>
    %gt3A_41 = arith.cmpf ogt, %get3A_40, %select_n3A_31 : vector<1x100000xf32>
    %select_n3A_42 = arith.select %gt3A_41, %get3A_40, %select_n3A_31 : vector<1x100000xi1>, vector<1x100000xf32>
    %get3A_43 = arith.constant 0 : index
    %get3A_44 = arith.constant 4 : index
    %get3A_45 = vector.load %arg1[%get3A_43, %get3A_44] : memref<1x10xf32, #tpu.memory_space<vmem>>, vector<1x1xf32>
    %broadcast_in_dim3A_46 = vector.shape_cast %get3A_45 : vector<1x1xf32> to vector<1x1xf32>
    %broadcast_in_dim3A_47 = vector.broadcast %broadcast_in_dim3A_46 : vector<1x1xf32> to vector<1x100000xf32>
    %select_n3A_48 = arith.select %gt3A_41, %broadcast_in_dim3A_47, %select_n3A_37 : vector<1x100000xi1>, vector<1x100000xf32>
    %get3A_49 = arith.constant 5 : index
    %get3A_50 = arith.constant 0 : index
    %get3A_51 = vector.load %arg0[%get3A_49, %get3A_50] : memref<10x100000xf32, #tpu.memory_space<vmem>>, vector<1x100000xf32>
    %gt3A_52 = arith.cmpf ogt, %get3A_51, %select_n3A_42 : vector<1x100000xf32>
    %select_n3A_53 = arith.select %gt3A_52, %get3A_51, %select_n3A_42 : vector<1x100000xi1>, vector<1x100000xf32>
    %get3A_54 = arith.constant 0 : index
    %get3A_55 = arith.constant 5 : index
    %get3A_56 = vector.load %arg1[%get3A_54, %get3A_55] : memref<1x10xf32, #tpu.memory_space<vmem>>, vector<1x1xf32>
    %broadcast_in_dim3A_57 = vector.shape_cast %get3A_56 : vector<1x1xf32> to vector<1x1xf32>
    %broadcast_in_dim3A_58 = vector.broadcast %broadcast_in_dim3A_57 : vector<1x1xf32> to vector<1x100000xf32>
    %select_n3A_59 = arith.select %gt3A_52, %broadcast_in_dim3A_58, %select_n3A_48 : vector<1x100000xi1>, vector<1x100000xf32>
    %get3A_60 = arith.constant 6 : index
    %get3A_61 = arith.constant 0 : index
    %get3A_62 = vector.load %arg0[%get3A_60, %get3A_61] : memref<10x100000xf32, #tpu.memory_space<vmem>>, vector<1x100000xf32>
    %gt3A_63 = arith.cmpf ogt, %get3A_62, %select_n3A_53 : vector<1x100000xf32>
    %select_n3A_64 = arith.select %gt3A_63, %get3A_62, %select_n3A_53 : vector<1x100000xi1>, vector<1x100000xf32>
    %get3A_65 = arith.constant 0 : index
    %get3A_66 = arith.constant 6 : index
    %get3A_67 = vector.load %arg1[%get3A_65, %get3A_66] : memref<1x10xf32, #tpu.memory_space<vmem>>, vector<1x1xf32>
    %broadcast_in_dim3A_68 = vector.shape_cast %get3A_67 : vector<1x1xf32> to vector<1x1xf32>
    %broadcast_in_dim3A_69 = vector.broadcast %broadcast_in_dim3A_68 : vector<1x1xf32> to vector<1x100000xf32>
    %select_n3A_70 = arith.select %gt3A_63, %broadcast_in_dim3A_69, %select_n3A_59 : vector<1x100000xi1>, vector<1x100000xf32>
    %get3A_71 = arith.constant 7 : index
    %get3A_72 = arith.constant 0 : index
    %get3A_73 = vector.load %arg0[%get3A_71, %get3A_72] : memref<10x100000xf32, #tpu.memory_space<vmem>>, vector<1x100000xf32>
    %gt3A_74 = arith.cmpf ogt, %get3A_73, %select_n3A_64 : vector<1x100000xf32>
    %select_n3A_75 = arith.select %gt3A_74, %get3A_73, %select_n3A_64 : vector<1x100000xi1>, vector<1x100000xf32>
    %get3A_76 = arith.constant 0 : index
    %get3A_77 = arith.constant 7 : index
    %get3A_78 = vector.load %arg1[%get3A_76, %get3A_77] : memref<1x10xf32, #tpu.memory_space<vmem>>, vector<1x1xf32>
    %broadcast_in_dim3A_79 = vector.shape_cast %get3A_78 : vector<1x1xf32> to vector<1x1xf32>
    %broadcast_in_dim3A_80 = vector.broadcast %broadcast_in_dim3A_79 : vector<1x1xf32> to vector<1x100000xf32>
    %select_n3A_81 = arith.select %gt3A_74, %broadcast_in_dim3A_80, %select_n3A_70 : vector<1x100000xi1>, vector<1x100000xf32>
    %get3A_82 = arith.constant 8 : index
    %get3A_83 = arith.constant 0 : index
    %get3A_84 = vector.load %arg0[%get3A_82, %get3A_83] : memref<10x100000xf32, #tpu.memory_space<vmem>>, vector<1x100000xf32>
    %gt3A_85 = arith.cmpf ogt, %get3A_84, %select_n3A_75 : vector<1x100000xf32>
    %select_n3A_86 = arith.select %gt3A_85, %get3A_84, %select_n3A_75 : vector<1x100000xi1>, vector<1x100000xf32>
    %get3A_87 = arith.constant 0 : index
    %get3A_88 = arith.constant 8 : index
    %get3A_89 = vector.load %arg1[%get3A_87, %get3A_88] : memref<1x10xf32, #tpu.memory_space<vmem>>, vector<1x1xf32>
    %broadcast_in_dim3A_90 = vector.shape_cast %get3A_89 : vector<1x1xf32> to vector<1x1xf32>
    %broadcast_in_dim3A_91 = vector.broadcast %broadcast_in_dim3A_90 : vector<1x1xf32> to vector<1x100000xf32>
    %select_n3A_92 = arith.select %gt3A_85, %broadcast_in_dim3A_91, %select_n3A_81 : vector<1x100000xi1>, vector<1x100000xf32>
    %get3A_93 = arith.constant 9 : index
    %get3A_94 = arith.constant 0 : index
    %get3A_95 = vector.load %arg0[%get3A_93, %get3A_94] : memref<10x100000xf32, #tpu.memory_space<vmem>>, vector<1x100000xf32>
    %gt3A_96 = arith.cmpf ogt, %get3A_95, %select_n3A_86 : vector<1x100000xf32>
    %get3A_97 = arith.constant 0 : index
    %get3A_98 = arith.constant 9 : index
    %get3A_99 = vector.load %arg1[%get3A_97, %get3A_98] : memref<1x10xf32, #tpu.memory_space<vmem>>, vector<1x1xf32>
    %broadcast_in_dim3A_100 = vector.shape_cast %get3A_99 : vector<1x1xf32> to vector<1x1xf32>
    %broadcast_in_dim3A_101 = vector.broadcast %broadcast_in_dim3A_100 : vector<1x1xf32> to vector<1x100000xf32>
    %select_n3A_102 = arith.select %gt3A_96, %broadcast_in_dim3A_101, %select_n3A_92 : vector<1x100000xi1>, vector<1x100000xf32>
    %swap3A = arith.constant 0 : index
    %swap3A_103 = arith.constant 0 : index
    %swap3A_104 = vector.load %arg2[%swap3A, %swap3A_103] : memref<1x100000xf32, #tpu.memory_space<vmem>>, vector<1x100000xf32>
    tpu.vector_store %arg2[%swap3A, %swap3A_103], %select_n3A_102 {strides = array<i32>} : memref<1x100000xf32, #tpu.memory_space<vmem>>, vector<1x100000xf32>,
    return
  }
}

</mosaic_0001>

<sc_bundles>
// kernel: kernel.4.cloned.1.call-start
scs
__scs_entry_jumppad:
0x0: {  	(pc) =	sbr.rel $0x88, $3  }
0x1: {  	(tag) =	ssettag $0x0;
	lr =	simm.s32 $0x1  }
0x2: {  	[smem:$0x3F9D] =	sst lr;
	_ =	strace $0xD0000000  }
0x3: {  	_ = 	snop  }
0x4: {  	_ = 	snop  }
0x5: {  	_ = 	snop  }
0x6: {  	_ = 	snop  }
0x7: {  	_ = 	snop  }
__scs_overlays_trampoline_lowered:
0x8: {  	[smem:$0x3FAC] =	sst s0  }
0x9: {  	[smem:$0x3FAD] =	sst s1  }
0xa: {  	[smem:$0x3FAE] =	sst s2  }
0xb: {  	[smem:$0x3FAF] =	sst s3  }
0xc: {  	[smem:$0x3FB0] =	sst s4  }
0xd: {  	[smem:$0x3FB1] =	sst s5  }
0xe: {  	[smem:$0x3FB2] =	sst s6  }
0xf: {  	[smem:$0x3FB3] =	sst s7  }
0x10: {  	[smem:$0x3FB4] =	sst s8  }
0x11: {  	[smem:$0x3FB5] =	sst s9;
	s0 =	simm.s32 @!p0 $0x0  }
0x12: {  	s1 =	sld [smem:$0x3F9B];
	s0 =	simm.s32 @p0 $0x1  }
0x13: {  	[smem:$0x3FB6] =	sst s0;
	s0 =	simm.s32 @!p1 $0x0  }
0x14: {  	s2 =	sld [smem:$0x3F9A];
	s0 =	simm.s32 @p1 $0x1  }
0x15: {  	[smem:$0x3FB7] =	sst s0;
	s0 =	simm.s32 @!p2 $0x0  }
0x16: {  	s3 =	sld [smem:$0x3FDB];
	s0 =	simm.s32 @p2 $0x1  }
0x17: {  	s4 =	simm.s32 $0x1BF5;
	[smem:$0x3FB9] =	sst s0  }
0x18: {  	s0 =	sld [smem:$0x3F9C];
	_ =	swait.ge [sflag:s4], $0x0  }
0x19: {  	s7 =	sld [smem:$0x3F9D]  }
0x1a: {  	s8 =	sadd.s32 $0xFFFFE003, lr  }
0x1b: {  	s9 =	sadd.s32 $0xFFFFFEF7, lr;
	s5 =	simm.s32 $0xFFFFFFFF;
	p2 =	slt.u32 s8, $0xFFFFF086  }
0x1c: {  	p1 =	slt.u32 s9, $0xF7A;
	s5 =	simm.s32 @!p2 $0x0  }
0x1d: {  	s5 =	simm.s32 @p1 $0x1;
	p0 =	seq.s32 s7, s2  }
0x1e: {  	s7 =	smul.u32 @!p0 $0xF7A, s2;
	p2 =	seq.s32 @!p0 s5, $0x0  }
0x1f: {  	s9 =	smul.u32 $0xF7A, s1;
	s8 =	simm.s32 @!p0 $0x1BF5;
	p2 =	por !p2, p0  }
0x20: {  	[sflag:s8] =	ssyncset.s32 @!p0 $0xFFFFF086;
	s6 =	sadd.s32 @!p0 s3, s7;
	s7 =	simm.s32 @!p0 $0x108  }
0x21: {  	s3 =	sadd.s32 s3, s9;
	s6 =	sadd.s32 @!p0 $0x88, s6;
	s7 =	simm.s32 @p2 $0x1082  }
0x22: {  	[simem:s7], [sflag:s8] =	dma.local @!p0 [hbm:s6], $0xF7A  }
0x23: {  	s9 =	sor.u32 $0xD0000000, s2;
	s6 =	simm.s32 $0x108;
	_ =	swait.ge @!p0 [sflag:s8], $0x0  }
0x24: {  	s3 =	sadd.s32 $0x88, s3;
	s6 =	simm.s32 @!p1 $0x1082;
	[sflag:s4] =	ssyncset.s32 $0xFFFFF086  }
0x25: {  	[simem:s6], [sflag:s4] =	dma.local [hbm:s3], $0xF7A  }
0x26: {  	[smem:$0x3F9D] =	sst s1;
	(tag) =	ssettag s2;
	_ =	strace s9  }
0x27: {  	s1 =	sld [smem:$0x3FAD]  }
0x28: {  	s2 =	sld [smem:$0x3FAE]  }
0x29: {  	s4 =	sld [smem:$0x3FB0]  }
0x2a: {  	p0 =	seq.s32 s5, $0x0;
	s5 =	sld [smem:$0x3FB1]  }
0x2b: {  	s6 =	sld [smem:$0x3FB2]  }
0x2c: {  	s7 =	sld [smem:$0x3FB3]  }
0x2d: {  	s3 =	simm.s32 $0x108;
	s8 =	sld [smem:$0x3FB4]  }
0x2e: {  	s3 =	simm.s32 @!p0 $0x1082;
	s9 =	sld [smem:$0x3FB5]  }
0x2f: {  	lr =	sadd.s32 s0, s3;
	s0 =	sld [smem:$0x3FAC]  }
0x30: {  	s3 =	sld [smem:$0x3FAF]  }
0x31: {  	[smem:$0x3FB8] =	sst s10  }
0x32: {  	s10 =	sld [smem:$0x3FB6];
	_ =	sdelay $0x3  }
0x33: {  	p0 =	seq.s32 s10, $0x1;
	s10 =	sld [smem:$0x3FB8];
	_ =	sdelay $0x3  }
0x34: {  	[smem:$0x3FB8] =	sst s10  }
0x35: {  	s10 =	sld [smem:$0x3FB7];
	_ =	sdelay $0x3  }
0x36: {  	p1 =	seq.s32 s10, $0x1;
	s10 =	sld [smem:$0x3FB8];
	_ =	sdelay $0x3  }
0x37: {  	[smem:$0x3FB8] =	sst s10  }
0x38: {  	s10 =	sld [smem:$0x3FB9]  }
0x39: {  	_ = 	snop;
	(pc) =	sbr.ind lr, $3  }
0x3a: {  	_ = 	snop  }
0x3b: {  	_ = 	snop  }
0x3c: {  	p2 =	seq.s32 s10, $0x1;
	s10 =	sld [smem:$0x3FB8]  }
0x3d: {  	_ =	shalt  }
0x3e: {  	_ =	shalt  }
0x3f: {  	_ =	shalt  }
0x40: {  	_ =	shalt  }
0x41: {  	_ =	shalt  }
0x42: {  	_ =	shalt  }
0x43: {  	_ =	shalt  }
0x44: {  	_ =	shalt  }
0x45: {  	_ =	shalt  }
0x46: {  	_ =	shalt  }
0x47: {  	_ =	shalt  }
0x48: {  	_ =	shalt  }
0x49: {  	_ =	shalt  }
0x4a: {  	_ =	shalt  }
0x4b: {  	_ =	shalt  }
0x4c: {  	_ =	shalt  }
0x4d: {  	_ =	shalt  }
0x4e: {  	_ =	shalt  }
0x4f: {  	_ =	shalt  }
0x50: {  	_ =	shalt  }
0x51: {  	_ =	shalt  }
0x52: {  	_ =	shalt  }
0x53: {  	_ =	shalt  }
0x54: {  	_ =	shalt  }
0x55: {  	_ =	shalt  }
0x56: {  	_ =	shalt  }
0x57: {  	_ =	shalt  }
0x58: {  	_ =	shalt  }
0x59: {  	_ =	shalt  }
0x5a: {  	_ =	shalt  }
0x5b: {  	_ =	shalt  }
0x5c: {  	_ =	shalt  }
0x5d: {  	_ =	shalt  }
0x5e: {  	_ =	shalt  }
0x5f: {  	_ =	shalt  }
0x60: {  	_ =	shalt  }
0x61: {  	_ =	shalt  }
0x62: {  	_ =	shalt  }
0x63: {  	_ =	shalt  }
0x64: {  	_ =	shalt  }
0x65: {  	_ =	shalt  }
0x66: {  	_ =	shalt  }
0x67: {  	_ =	shalt  }
0x68: {  	_ =	shalt  }
0x69: {  	_ =	shalt  }
0x6a: {  	_ =	shalt  }
0x6b: {  	_ =	shalt  }
0x6c: {  	_ =	shalt  }
0x6d: {  	_ =	shalt  }
0x6e: {  	_ =	shalt  }
0x6f: {  	_ =	shalt  }
0x70: {  	_ =	shalt  }
0x71: {  	_ =	shalt  }
0x72: {  	_ =	shalt  }
0x73: {  	_ =	shalt  }
0x74: {  	_ =	shalt  }
0x75: {  	_ =	shalt  }
0x76: {  	_ =	shalt  }
0x77: {  	_ =	shalt  }
0x78: {  	_ =	shalt  }
0x79: {  	_ =	shalt  }
0x7a: {  	_ =	shalt  }
0x7b: {  	_ =	shalt  }
0x7c: {  	_ =	shalt  }
0x7d: {  	_ =	shalt  }
0x7e: {  	_ =	shalt  }
0x7f: {  	_ =	shalt  }
0x80: {  	_ =	shalt  }
0x81: {  	_ =	shalt  }
0x82: {  	_ =	shalt  }
0x83: {  	_ =	shalt  }
0x84: {  	_ =	shalt  }
0x85: {  	_ =	shalt  }
0x86: {  	_ =	shalt  }
0x87: {  	_ =	shalt  }
.Lfunc_end0:
.L_simem_size_0:
called_computation_lowered:
.L_overlay_start_0:
0x88: {  	s2 =	sld [smem:$0x3FD9]  }
0x89: {  	s3 =	sld [smem:$0x3FFE];
	_ =	sdelay $0x1  }
0x8a: {  	s1 =	srdreg.scid  }
0x8b: {  	s0 =	sand.u32 $0x1, s1  }
0x8c: {  	s17 =	sshll.u32 s0, $0xA;
	s2 =	sadd.s32 s3, s2  }
0x8d: {  	s2 =	sadd.s32 s2, s17  }
0x8e: {  	[smem:$0x3FC4] =	sst s2  }
0x8f: {  	_ = 	snop  }
0x90: {  	s2 =	sld [smem:$0x3FC9]  }
0x91: {  	s18 =	sld [smem:$0x3FC7]  }
0x92: {  	s4 =	sld [smem:$0x3FD0];
	(tm) =	ssettm $0x1  }
0x93: {  	s5 =	sld [smem:$0x3FFB];
	_ =	sdelay $0x3  }
0x94: {  	_ =	strace s5  }
0x95: {  	s5 =	sld [smem:$0x3FFC];
	_ =	sdelay $0x3  }
0x96: {  	_ =	strace s5  }
0x97: {  	s5 =	sld [smem:$0x3FFD];
	_ =	sdelay $0x3  }
0x98: {  	_ =	strace s5  }
0x99: {  	_ =	strace $0x8FFFFFFF  }
0x9a: {  	s19 =	sld [smem:$0x3FDB];
	_ =	sdelay $0x1  }
0x9b: {  	s6 =	simm.s32 $_scs_section_size  }
0x9c: {  	s7 =	simm.s32 $_size__tile_overlayer_lowered;
	s8 =	simm.s32 $_tile_overlayer_lowered  }
0x9d: {  	s22 =	simm.s32 $0x1BFF;
	s21 =	sshll.u32 s8, $0x1;
	s5 =	sadd.s32 s6, s19  }
0x9e: {  	s9 =	simm.s32 $0x0;
	s20 =	sshll.u32 s7, $0x1;
	s7 =	sadd.s32 s21, s5  }
0x9f: {  	[timem:s9], [sflag:s22] =	dma.local [hbm:s7], s20  }
0xa0: {  	_ =	swait.ge [sflag:s22], s20  }
0xa1: {  	s6 =	ssub.s32 $0x0, s20;
	[sflag:s22] =	ssyncset.done $0x0  }
0xa2: {  	[sflag:s22] =	ssyncadd.s32 s6;
	_ =	sdelay $0x1  }
0xa3: {  	s23 =	simm.s32 $0x1B8B  }
0xa4: {  	_ =	swait.ge [sflag:s23], $0x1  }
0xa5: {  	[sflag:s23] =	ssyncset.done $0x0  }
0xa6: {  	s25 =	simm.s32 $0x1B8E;
	s24 =	sld [smem:$0x3FFE];
	[sflag:s23] =	ssyncadd.s32 $0xFFFFFFFF  }
0xa7: {  	s26 =	simm.s32 $execute0_lowered;
	[smem:$0x3FD2] =	sst s25  }
0xa8: {  	s7 =	sshll.u32 s26, $0x1;
	_ =	strace $0x80000046;
	[dreg:$0x1] =	wrdreg $0xFFFFFFFF  }
0xa9: {  	s28 =	simm.s32 $_size_execute0_lowered;
	s5 =	sadd.s32 s5, s7;
	[dreg:$0x0] =	wrdreg $0x0  }
0xaa: {  	s7 =	sshll.u32 s28, $0x1;
	[dreg:$0x2] =	wrdreg s5  }
0xab: {  	[dreg:$0x3] =	wrdreg s7  }
0xac: {  	[dreg:$0x4] =	wrdreg $0xC0  }
0xad: {  	_ =	task [dreg:s9], $0x5FFFF  }
0xae: {  	[dreg:$0x1] =	wrdreg $0xFFFFFFFF  }
0xaf: {  	[dreg:$0x0] =	wrdreg $0x60  }
0xb0: {  	[dreg:$0x2] =	wrdreg s24  }
0xb1: {  	[dreg:$0x3] =	wrdreg s18  }
0xb2: {  	[dreg:$0x4] =	wrdreg s2  }
0xb3: {  	[dreg:$0x5] =	wrdreg s4  }
0xb4: {  	[dreg:$0x6] =	wrdreg $0x9  }
0xb5: {  	_ =	task.clear_ibuf [dreg:s9], $0x7FFFF;
	_ =	strace $0x90000046  }
0xb6: {  	s29 =	simm.s32 $0x9;
	_ =	strace $0x80000048  }
0xb7: {  	_ =	swait.ge [sflag:s29], $0x1  }
0xb8: {  	[sflag:s29] =	ssyncadd.s32 $0xFFFFFFFF  }
0xb9: {  	_ =	strace $0x90000048  }
0xba: {  	_ =	sfence  }
0xbb: {  	s30 =	sld [smem:$0x0];
	_ =	sdelay $0x2  }
0xbc: {  	s31 =	sshll.u32 s1, $0xD;
	s1 =	sshrl.u32 s1, $0x2  }
0xbd: {  	s3 =	sand.u32 $0x4000, s31;
	s1 =	sadd.s32 s1, s30  }
0xbe: {  	s0 =	sor.u32 s3, s0;
	s1 =	sshll.u32 s1, $0x11  }
0xbf: {  	s0 =	sor.u32 s1, s0  }
0xc0: {  	s0 =	sadd.s32 $0x8F2B, s0  }
0xc1: {  	[sflag:s0] =	ssyncadd.remote.s32 $0x1  }
0xc2: {  	_ =	sfence.sel $0xFFFF  }
0xc3: {  	[dreg:$0x0] =	wrdreg $0xFFFFFFFF;
	(pc) =	sbr.abs _section_cstart, $3  }
0xc4: {  	[dreg:$0x1] =	wrdreg $0xFFFFFFFF  }
0xc5: {  	_ =	task.clear_ibuf [dreg:s9], $0x2FFFF;
	_ =	strace $0x9FFFFFFF  }
0xc6: {  	(tm) =	ssettm $0x7FFFFFFF  }
0xc7: {  	_ =	shalt  }
tec
execute0_lowered:
.L_overlay_start_1:
0x0: {  	(tag) =	ssettag $0x1  }
0x1: {  	s0 =	rddreg [dreg:$0x0]  }
0x2: {  	s1 =	rddreg [dreg:$0x1]  }
0x3: {  	s3 =	rddreg [dreg:$0x2];
	s2 =	srdreg.scid  }
0x4: {  	s5 =	stileid.u32;
	s4 =	rddreg [dreg:$0x3];
	s16 =	simm.s32 $0x186A0  }
0x5: {  	s17 =	simm.s32 $0x1A6A0;
	s18 =	simm.s32 $0x196A0;
	s19 =	simm.s32 $0x1AEA0  }
0x6: {  	s20 =	simm.s32 $0x5;
	s21 =	simm.s32 $0x1;
	s22 =	simm.s32 $0x1B6A0  }
0x7: {  	s23 =	simm.s32 $0x2;
	s24 =	simm.s32 $0x1BEA0;
	s25 =	simm.s32 $0x3  }
0x8: {  	s28 =	simm.s32 $0x0;
	s2 =	sand.u32 $0x1, s2;
	s6 =	sshll.u32 s5, $0x1  }
0x9: {  	s5 =	simm.s32 $0x0;
	s0 =	sadd.s32 $0x200, s0;
	s6 =	sor.u32 s2, s6  }
0xa: {  	[smem:$0x7FF] =	sst s5;
	s2 =	ssub.s32 $0x2, s2;
	s7 =	smul.u32 $0x61, s6  }
0xb: {  	_ =	strace $0x80000047;
	s6 =	smin.u32 s6, $0x15;
	s26 =	sshrl.u32 s2, $0x1  }
0xc: {  	[dreg:$0x5] =	wrdreg s0;
	s0 =	ssub.s32 s2, s26;
	s7 =	sadd.s32 s6, s7  }
0xd: {  	s26 =	simm.s32 $0x4;
	s15 =	smax.u32 s0, $0x1;
	s29 =	sshll.u32 s7, $0x9  }
0xe: {  	s8 =	sadd.s32 $0x1, s7;
	s9 =	sshll.u32 s7, $0x8;
	s13 =	sadd.s32 $0x2, s7  }
0xf: {  	s2 =	sadd.s32 s1, s29;
	s30 =	sshll.u32 s8, $0x9;
	s31 =	sshll.u32 s8, $0x8  }
0x10: {  	s9 =	sadd.s32 s3, s9;
	[dreg:$0x6] =	wrdreg s2;
	s2 =	sand.u32 $0x1FFFFE00, s30  }
0x11: {  	s6 =	sand.u32 $0x1FFFFF00, s31;
	[dreg:$0x7] =	wrdreg s9;
	s2 =	sadd.s32 s1, s2  }
0x12: {  	s14 =	sadd.s32 $0x3, s7;
	s12 =	sadd.s32 s3, s6;
	[dreg:$0x8] =	wrdreg s2  }
.LBB2_1:
0x13: {  	s0 =	rddreg [dreg:$0x5]  }
0x14: {  	[tilespmem:s5], [sflag:$0x5] =	stream.linear.gather [hbm4b:s0+s5], $0x186A0, $0x38;
	[tilespmem:$0x1C6A0] =	vst v63  }
0x15: {  	s11 =	rddreg [dreg:$0x6]  }
0x16: {  	[tilespmem:s16], [sflag:$0x1] =	stream.linear.gather [hbm4b:s11+s5], $0x1000, $0x38;
	[tilespmem:$0x1C6A0] =	vst v63  }
0x17: {  	s30 =	rddreg [dreg:$0x7]  }
0x18: {  	[tilespmem:s17], [sflag:$0x1] =	stream.linear.gather [hbm4b:s30+s5], $0x800, $0x38;
	[tilespmem:$0x1C6A0] =	vst v63  }
0x19: {  	s31 =	rddreg [dreg:$0x8]  }
0x1a: {  	[tilespmem:s18], [sflag:$0x2] =	stream.linear.gather [hbm4b:s31+s5], $0x1000, $0x38;
	[tilespmem:$0x1C6A0] =	vst v63  }
0x1b: {  	_ = 	snop  }
0x1c: {  	[tilespmem:s19], [sflag:$0x2] =	stream.linear.gather [hbm4b:s12+s5], $0x800, $0x38;
	[tilespmem:$0x1C6A0] =	vst v63  }
0x1d: {  	_ =	swait.ge [sflag:s20], $0x186A0  }
0x1e: {  	[sflag:s20] =	ssyncset.done $0x0  }
0x1f: {  	s29 =	simm.s32 $0x0;
	[sflag:s20] =	ssyncadd.s32 $0xFFFE7960  }
.LBB2_2:
0x20: {  	_ =	swait.ge [sflag:s21], $0x1000  }
0x21: {  	[sflag:s21] =	ssyncset.done $0x0  }
0x22: {  	[sflag:s21] =	ssyncadd.s32 $0xFFFFF000  }
0x23: {  	_ =	swait.ge [sflag:s21], $0x800  }
0x24: {  	p0 =	seq.s32 s29, $0x0;
	[sflag:s21] =	ssyncset.done $0x0  }
0x25: {  	s0 =	simm.s32 @!p0 $0x3;
	[sflag:s21] =	ssyncadd.s32 $0xFFFFF800  }
0x26: {  	_ =	swait.ge @!p0 [sflag:s0], $0x800  }
0x27: {  	[sflag:s0] =	ssyncset.done @!p0 $0x0  }
0x28: {  	s10 =	simm.s32 $0x18720;
	[sflag:s0] =	ssyncadd.s32 @!p0 $0xFFFFF800  }
0x29: {  	v0 =	vld [tilespmem:s10+$0xFFFFFFF0]  }
0x2a: {  	v1 =	vld [tilespmem:s10+$0x70]  }
0x2b: {  	v2 =	vld [tilespmem:s10+$0x0]  }
0x2c: {  	v3 =	vld [tilespmem:s10+$0xFFFFFF90]  }
0x2d: {  	v4 =	vld [tilespmem:s10+$0x10]  }
0x2e: {  	v5 =	vld [tilespmem:s10+$0xFFFFFFA0]  }
0x2f: {  	v6 =	vld [tilespmem:s10+$0x20]  }
0x30: {  	v7 =	vld [tilespmem:s10+$0xFFFFFFB0]  }
0x31: {  	v8 =	vld [tilespmem:s10+$0x30]  }
0x32: {  	v9 =	vld [tilespmem:s10+$0xFFFFFFC0]  }
0x33: {  	v10 =	vld [tilespmem:s10+$0x40]  }
0x34: {  	v11 =	vld [tilespmem:s10+$0xFFFFFFD0]  }
0x35: {  	v12 =	vld [tilespmem:s10+$0x50]  }
0x36: {  	v13 =	vld [tilespmem:s10+$0xFFFFFFE0]  }
0x37: {  	v14 =	vld [tilespmem:s10+$0x60]  }
0x38: {  	v0 =	vld.idx.msk [tilespmem:v0+s5+$0x0], $0xffff  }
0x39: {  	v1 =	vld.idx.msk [tilespmem:v1+s5+$0x0], $0xffff  }
0x3a: {  	s31 =	simm.s32 $0x0;
	v15 =	vld [tilespmem:s10+$0xFFFFFF80]  }
0x3b: {  	v17 =	vld [tilespmem:s31+$0x1A6B0]  }
0x3c: {  	v18 =	vld [tilespmem:s31+$0x1A6D0]  }
0x3d: {  	v22 =	vld [tilespmem:s31+$0x1A6E0]  }
0x3e: {  	v16 =	vadd.f32 v1, v0;
	v0 =	vld.idx.msk [tilespmem:v2+s5+$0x0], $0xffff  }
0x3f: {  	v1 =	vld.idx.msk [tilespmem:v3+s5+$0x0], $0xffff  }
0x40: {  	v2 =	vld.idx.msk [tilespmem:v4+s5+$0x0], $0xffff;
	(erf) = vrcp.f32 v16  }
0x41: {  	v3 =	vld.idx.msk [tilespmem:v5+s5+$0x0], $0xffff  }
0x42: {  	v5 =	vld [tilespmem:s31+$0x1A710]  }
0x43: {  	v4 =	vld.idx.msk [tilespmem:v6+s5+$0x0], $0xffff  }
0x44: {  	v6 =	vld.idx.msk [tilespmem:v7+s5+$0x0], $0xffff  }
0x45: {  	v7 =	vld.idx.msk [tilespmem:v15+s5+$0x0], $0xffff  }
0x46: {  	s11 =	simm.s32 $0x18820;
	v8 =	vld.idx.msk [tilespmem:v8+s5+$0x0], $0xffff  }
0x47: {  	v20 =	vld [tilespmem:s11+$0xFFFFFF90]  }
0x48: {  	v23 =	vld [tilespmem:s11+$0x10];
	v2 =	vadd.f32 v2, v1  }
0x49: {  	v9 =	vld.idx.msk [tilespmem:v9+s5+$0x0], $0xffff;
	v3 =	vadd.f32 v4, v3;
	v15 =	vpop (erf)  }
0x4a: {  	v10 =	vld.idx.msk [tilespmem:v10+s5+$0x0], $0xffff;
	v7 =	vadd.f32 v0, v7;
	(erf) = vrcp.f32 v2;
	v15 =	vmul.f32 v15, v5  }
0x4b: {  	v11 =	vld.idx.msk [tilespmem:v11+s5+$0x0], $0xffff;
	v6 =	vadd.f32 v8, v6;
	(erf) = vrcp.f32 v3  }
0x4c: {  	v12 =	vld.idx.msk [tilespmem:v12+s5+$0x0], $0xffff;
	(erf) = vrcp.f32 v7;
	v1 =	vmul.f32 $1.371428590e+01, v15  }
0x4d: {  	v13 =	vld.idx.msk [tilespmem:v13+s5+$0x0], $0xffff;
	(erf) = vrcp.f32 v6  }
0x4e: {  	v14 =	vld.idx.msk [tilespmem:v14+s5+$0x0], $0xffff;
	v0 =	vsub.f32 $1.428571410e+01, v1  }
0x4f: {  	v25 =	vld [tilespmem:s11+$0xFFFFFFA0]  }
0x50: {  	v4 =	vld [tilespmem:s31+$0x1A6C0];
	v0 =	vmul.f32 $1.442695020e+00, v0  }
0x51: {  	v8 =	vadd.f32 v10, v9;
	v15 =	vld [tilespmem:s31+$0x1A6A0]  }
0x52: {  	v9 =	vadd.f32 v12, v11;
	v10 =	vld [tilespmem:s11+$0xFFFFFFF0];
	(erf) = vpow2.f32 v0  }
0x53: {  	v26 =	vld [tilespmem:s11+$0x20];
	v12 =	vadd.f32 v14, v13;
	v13 =	vmul.f32 $7.500000000e-01, v2;
	v2 =	vpop (erf);
	(erf) = vrcp.f32 v8  }
0x54: {  	v11 =	vld [tilespmem:s11+$0x70];
	v21 =	vmul.f32 $7.500000000e-01, v3;
	v19 =	vpop (erf);
	(erf) = vrcp.f32 v9  }
0x55: {  	v28 =	vld [tilespmem:s11+$0xFFFFFFB0];
	v2 =	vmul.f32 v2, v17;
	v3 =	vmul.f32 v19, v4;
	v19 =	vpop (erf)  }
0x56: {  	v32 =	vld [tilespmem:s11+$0xFFFFFFC0];
	v19 =	vmul.f32 v19, v15;
	v24 =	vpop (erf);
	(erf) = vrcp.f32 v12  }
0x57: {  	v34 =	vld [tilespmem:s11+$0x40];
	v2 =	vmul.f32 $1.371428590e+01, v2;
	v24 =	vmul.f32 v24, v18  }
0x58: {  	v36 =	vld [tilespmem:s11+$0x50];
	v3 =	vmul.f32 $1.371428590e+01, v3;
	v19 =	vmul.f32 $1.371428590e+01, v19  }
0x59: {  	v0 =	vld [tilespmem:s31+$0x1A6F0];
	v2 =	vsub.f32 $1.428571410e+01, v2;
	v24 =	vmul.f32 $1.371428590e+01, v24  }
0x5a: {  	v10 =	vld.idx.msk [tilespmem:v10+s5+$0x0], $0xffff;
	v3 =	vsub.f32 $1.428571410e+01, v3;
	v19 =	vsub.f32 $1.428571410e+01, v19  }
0x5b: {  	v16 =	vmul.f32 $7.500000000e-01, v16;
	v1 =	vld [tilespmem:s31+$0x1A700];
	v2 =	vmul.f32 $1.442695020e+00, v2;
	v24 =	vsub.f32 $1.428571410e+01, v24;
	v27 =	vpop (erf)  }
0x5c: {  	v11 =	vld.idx.msk [tilespmem:v11+s5+$0x0], $0xffff;
	v33 =	vmul.f32 $1.442695020e+00, v3;
	v19 =	vmul.f32 $1.442695020e+00, v19;
	v29 =	vadd.f32 $1.000000000e+00, v27;
	v30 =	vpop (erf)  }
0x5d: {  	v57 =	vld [tilespmem:s11+$0x60];
	v24 =	vmul.f32 $1.442695020e+00, v24;
	v30 =	vmul.f32 v30, v22;
	v31 =	vpop (erf)  }
0x5e: {  	v20 =	vld.idx.msk [tilespmem:v20+s5+$0x0], $0xffff;
	(erf) = vrcp.f32 v29;
	v29 =	vmul.f32 v31, v0  }
0x5f: {  	v23 =	vld.idx.msk [tilespmem:v23+s5+$0x0], $0xffff;
	v3 =	vpop (erf);
	v30 =	vmul.f32 $1.371428590e+01, v30;
	(erf) = vpow2.f32 v19  }
0x60: {  	v25 =	vld.idx.msk [tilespmem:v25+s5+$0x0], $0xffff;
	v35 =	vmul.f32 v3, v1;
	(erf) = vpow2.f32 v2  }
0x61: {  	v31 =	vld [tilespmem:s11+$0x30];
	v3 =	vadd.f32 v11, v10;
	v29 =	vmul.f32 $1.371428590e+01, v29;
	(erf) = vpow2.f32 v33  }
0x62: {  	v59 =	vld.idx.msk [tilespmem:v36+s5+$0x0], $0xffff;
	v7 =	vmul.f32 $7.500000000e-01, v7;
	v2 =	vsub.f32 $1.428571410e+01, v30;
	(erf) = vpow2.f32 v24  }
0x63: {  	v11 =	vsub.f32 $1.428571410e+01, v29;
	v29 =	vmul.f32 $1.371428590e+01, v35;
	v24 =	vld [tilespmem:s11+$0xFFFFFF80];
	(erf) = vrcp.f32 v3  }
0x64: {  	v14 =	vld [tilespmem:s11+$0x0];
	v16 =	vmul.f32 v27, v16;
	v2 =	vmul.f32 $1.442695020e+00, v2  }
0x65: {  	v19 =	vld [tilespmem:s11+$0xFFFFFFD0];
	v30 =	vmul.f32 $7.500000000e-01, v6;
	v11 =	vmul.f32 $1.442695020e+00, v11;
	v6 =	vsub.f32 $1.428571410e+01, v29  }
0x66: {  	s2 =	simm.s32 $0x80;
	v10 =	vld [tilespmem:s11+$0xFFFFFFE0];
	v29 =	vmul.f32 $7.500000000e-01, v8;
	(erf) = vpow2.f32 v2  }
0x67: {  	v20 =	vadd.f32 v23, v20;
	v8 =	vld [tilespmem:s2+$0x1A710];
	v2 =	vmul.f32 $7.500000000e-01, v12;
	v6 =	vmul.f32 $1.442695020e+00, v6;
	v27 =	vpop (erf)  }
0x68: {  	v5 =	vadd.f32 v16, v5;
	v12 =	vld.idx.msk [tilespmem:v26+s5+$0x0], $0xffff;
	(erf) = vpow2.f32 v11;
	v11 =	vmul.f32 $7.500000000e-01, v9;
	v9 =	vpop (erf)  }
0x69: {  	v23 =	vld.idx.msk [tilespmem:v31+s5+$0x0], $0xffff;
	(erf) = vpow2.f32 v6;
	v6 =	vmul.f32 v9, v7;
	v7 =	vadd.f32 $1.000000000e+00, v9;
	v9 =	vpop (erf)  }
0x6a: {  	v26 =	vmul.f32 v27, v5;
	v5 =	vld.idx.msk [tilespmem:v28+s5+$0x0], $0xffff;
	v16 =	vadd.f32 $1.000000000e+00, v9;
	v27 =	vpop (erf)  }
0x6b: {  	v13 =	vmul.f32 v9, v13;
	(erf) = vrcp.f32 v7;
	v7 =	vld.idx.msk [tilespmem:v24+s5+$0x0], $0xffff;
	v9 =	vadd.f32 v6, v15;
	v24 =	vpop (erf)  }
0x6c: {  	v14 =	vld.idx.msk [tilespmem:v14+s5+$0x0], $0xffff;
	v6 =	vadd.f32 $1.000000000e+00, v27;
	v21 =	vmul.f32 v27, v21;
	v15 =	vpop (erf);
	(erf) = vrcp.f32 v16  }
0x6d: {  	v28 =	vld.idx.msk [tilespmem:v32+s5+$0x0], $0xffff;
	v16 =	vadd.f32 $1.000000000e+00, v24;
	v24 =	vmul.f32 v24, v30;
	v31 =	vmul.f32 v15, v8  }
0x6e: {  	v12 =	vadd.f32 v12, v25;
	v25 =	vld.idx.msk [tilespmem:v19+s5+$0x0], $0xffff;
	(erf) = vrcp.f32 v6;
	v6 =	vmul.f32 $7.500000000e-01, v20  }
0x6f: {  	v15 =	vadd.f32 v13, v17;
	v17 =	vld.idx.msk [tilespmem:v34+s5+$0x0], $0xffff;
	v58 =	vpop (erf);
	(erf) = vrcp.f32 v20;
	v19 =	vmul.f32 $1.371428590e+01, v31  }
0x70: {  	v20 =	vadd.f32 v23, v5;
	v13 =	vadd.f32 $1.000000000e+00, v58;
	(erf) = vrcp.f32 v16  }
0x71: {  	v60 =	vld.idx.msk [tilespmem:v10+s5+$0x0], $0xffff;
	v27 =	vpop (erf);
	v7 =	vadd.f32 v14, v7;
	(erf) = vrcp.f32 v12;
	v10 =	vsub.f32 $1.428571410e+01, v19  }
0x72: {  	[tilespmem:s31+$0x1B710] =	vst v26;
	v26 =	vld [tilespmem:s2+$0x1A700];
	v18 =	vadd.f32 v24, v18;
	v29 =	vmul.f32 v58, v29;
	v30 =	vpop (erf);
	(erf) = vrcp.f32 v13  }
0x73: {  	v23 =	vld.idx.msk [tilespmem:v57+s5+$0x0], $0xffff;
	v34 =	vadd.f32 v59, v25;
	(erf) = vrcp.f32 v7;
	v62 =	vmul.f32 $1.442695020e+00, v10  }
0x74: {  	v12 =	vmul.f32 $7.500000000e-01, v12;
	v13 =	vld [tilespmem:s2+$0x1A6B0];
	v28 =	vadd.f32 v17, v28;
	(erf) = vrcp.f32 v20  }
0x75: {  	v5 =	vld [tilespmem:s2+$0x1A6C0];
	v31 =	vadd.f32 $1.000000000e+00, v27;
	v25 =	vmul.f32 $7.500000000e-01, v34;
	v19 =	vpop (erf);
	(erf) = vpow2.f32 v62  }
0x76: {  	v24 =	vld [tilespmem:s2+$0x1A6F0];
	v61 =	vadd.f32 $1.000000000e+00, v30;
	v10 =	vmul.f32 $7.500000000e-01, v20;
	v20 =	vpop (erf);
	(erf) = vrcp.f32 v28  }
0x77: {  	v14 =	vld [tilespmem:s2+$0x1A6A0];
	v16 =	vmul.f32 $7.500000000e-01, v7;
	v17 =	vadd.f32 v21, v4;
	v21 =	vpop (erf);
	(erf) = vrcp.f32 v31  }
0x78: {  	s30 =	sshll.u32 s29, $0x1;
	s6 =	simm.s32 $0x8;
	v4 =	vld [tilespmem:s2+$0x1A6D0];
	v7 =	vmul.f32 $7.500000000e-01, v28;
	v63 =	vpop (erf);
	v31 =	vadd.f32 v23, v60;
	(erf) = vrcp.f32 v34  }
0x79: {  	s9 =	simm.s32 $0x200;
	s0 =	sadd.s32 s7, s30;
	s10 =	simm.s32 $0x18920;
	v22 =	vadd.f32 v29, v22;
	v28 =	vld [tilespmem:s2+$0x1A6E0];
	v32 =	vmul.f32 v63, v13;
	v23 =	vpop (erf);
	(erf) = vrcp.f32 v61  }
.LBB2_3:
0x7a: {  	v33 =	vld [tilespmem:s10+$0xFFFFFFF0];
	v29 =	vmul.f32 $7.500000000e-01, v31;
	v34 =	vpop (erf);
	(erf) = vrcp.f32 v31  }
0x7b: {  	s6 =	sadd.s32 $0x8, s6;
	v31 =	vld [tilespmem:s10+$0x70];
	v32 =	vmul.f32 $1.371428590e+01, v32;
	v34 =	vmul.f32 v34, v5;
	v35 =	vpop (erf)  }
0x7c: {  	v11 =	vmul.f32 v27, v11;
	v27 =	vmul.f32 v30, v2;
	p1 =	slt.u32 s6, $0x78;
	v36 =	vld [tilespmem:s10+$0x0];
	v37 =	vpop (erf);
	v2 =	vmov v29  }
0x7d: {  	v30 =	vld [tilespmem:s10+$0xFFFFFF90];
	v42 =	vmul.f32 v37, v14;
	v32 =	vsub.f32 $1.428571410e+01, v32;
	v34 =	vmul.f32 $1.371428590e+01, v34;
	v37 =	vpop (erf)  }
0x7e: {  	v40 =	vadd.f32 v11, v0;
	v27 =	vadd.f32 v27, v1;
	v38 =	vld [tilespmem:s10+$0x10];
	v37 =	vmul.f32 v37, v4;
	v39 =	vpop (erf)  }
0x7f: {  	v41 =	vld [tilespmem:s10+$0xFFFFFFA0];
	v0 =	vmul.f32 $1.371428590e+01, v42;
	v1 =	vsub.f32 $1.428571410e+01, v34;
	v11 =	vadd.f32 $1.000000000e+00, v39;
	v29 =	vpop (erf)  }
0x80: {  	v34 =	vld [tilespmem:s10+$0x20];
	v37 =	vmul.f32 $1.371428590e+01, v37;
	v42 =	vmul.f32 v29, v28;
	v43 =	vpop (erf);
	v29 =	vmov v28  }
0x81: {  	v32 =	vmul.f32 $1.442695020e+00, v32;
	v28 =	vld [tilespmem:s10+$0xFFFFFFB0];
	v47 =	vsub.f32 $1.428571410e+01, v0;
	v44 =	vpop (erf);
	(erf) = vrcp.f32 v11  }
0x82: {  	v33 =	vld.idx.msk [tilespmem:v33+s5+$0x0], $0xffff;
	v37 =	vsub.f32 $1.428571410e+01, v37;
	v49 =	vmul.f32 $1.371428590e+01, v42;
	v42 =	vmul.f32 v44, v24;
	v44 =	vpop (erf)  }
0x83: {  	v46 =	vmul.f32 $1.442695020e+00, v1;
	v31 =	vld.idx.msk [tilespmem:v31+s5+$0x0], $0xffff;
	v45 =	vmul.f32 $1.442695020e+00, v47;
	v1 =	vpop (erf);
	v0 =	vmov v24  }
0x84: {  	v11 =	vmovc v25;
	v24 =	vld [tilespmem:s10+$0x30];
	v47 =	vsub.f32 $1.428571410e+01, v49;
	v42 =	vmul.f32 $1.371428590e+01, v42;
	v48 =	vmul.f32 v1, v26;
	v1 =	vmovc v26  }
0x85: {  	v3 =	vmul.f32 $7.500000000e-01, v3;
	v26 =	vmul.f32 $1.442695020e+00, v37;
	v25 =	vld [tilespmem:s10+$0xFFFFFFC0]  }
0x86: {  	v37 =	vld [tilespmem:s10+$0x40];
	v42 =	vsub.f32 $1.428571410e+01, v42;
	v48 =	vmul.f32 $1.371428590e+01, v48;
	(erf) = vpow2.f32 v45  }
0x87: {  	v39 =	vmul.f32 v39, v3;
	v47 =	vmul.f32 $1.442695020e+00, v47;
	v45 =	vld [tilespmem:s10+$0xFFFFFFD0]  }
0x88: {  	v49 =	vld [tilespmem:s10+$0x50];
	v42 =	vmul.f32 $1.442695020e+00, v42;
	v48 =	vsub.f32 $1.428571410e+01, v48;
	(erf) = vpow2.f32 v32  }
0x89: {  	v8 =	vadd.f32 v39, v8;
	v3 =	vadd.f32 v31, v33;
	v32 =	vld [tilespmem:s10+$0xFFFFFFE0];
	(erf) = vpow2.f32 v46  }
0x8a: {  	v31 =	vld [tilespmem:s10+$0x60];
	v33 =	vmul.f32 $1.442695020e+00, v48;
	(erf) = vpow2.f32 v26;
	v26 =	vpop (erf)  }
0x8b: {  	v39 =	vld [tilespmem:s10+$0xFFFFFF80];
	(erf) = vrcp.f32 v3;
	v8 =	vmul.f32 v26, v8  }
0x8c: {  	v9 =	vmul.f32 v19, v9;
	v26 =	vld.idx.msk [tilespmem:v36+s5+$0x0], $0xffff;
	(erf) = vpow2.f32 v47  }
0x8d: {  	v19 =	vld.idx.msk [tilespmem:v30+s5+$0x0], $0xffff;
	[tilespmem:s2+$0x1B710] =	vst v8;
	(erf) = vpow2.f32 v42;
	v8 =	vmul.f32 v20, v15  }
0x8e: {  	s9 =	sadd.s32 $0x200, s9;
	v30 =	vmul.f32 v21, v17;
	v15 =	vld.idx.msk [tilespmem:v38+s5+$0x0], $0xffff;
	(erf) = vpow2.f32 v33;
	[tilespmem:s31+$0x1B6A0] =	vst v9  }
0x8f: {  	v18 =	vmul.f32 v23, v18;
	s11 =	sshra.s32 s9, $0x2;
	v21 =	vmul.f32 v35, v22;
	v17 =	vld.idx.msk [tilespmem:v41+s5+$0x0], $0xffff;
	v20 =	vpop (erf);
	[tilespmem:s31+$0x1B6B0] =	vst v8  }
0x90: {  	v22 =	vmul.f32 v43, v40;
	v8 =	vld [tilespmem:s11+$0x1A710];
	v16 =	vmul.f32 v20, v16;
	v33 =	vadd.f32 $1.000000000e+00, v20;
	[tilespmem:s31+$0x1B6C0] =	vst v30  }
0x91: {  	v23 =	vld.idx.msk [tilespmem:v34+s5+$0x0], $0xffff;
	v9 =	vpop (erf);
	[tilespmem:s31+$0x1B6D0] =	vst v18;
	v18 =	vmul.f32 v44, v27  }
0x92: {  	v28 =	vld.idx.msk [tilespmem:v28+s5+$0x0], $0xffff;
	v6 =	vmul.f32 v9, v6;
	v27 =	vadd.f32 $1.000000000e+00, v9;
	(erf) = vrcp.f32 v33;
	v20 =	vpop (erf);
	[tilespmem:s31+$0x1B6E0] =	vst v21  }
0x93: {  	v9 =	vadd.f32 v16, v14;
	v21 =	vld.idx.msk [tilespmem:v39+s5+$0x0], $0xffff;
	v16 =	vmul.f32 v20, v12;
	v12 =	vadd.f32 $1.000000000e+00, v20;
	v14 =	vpop (erf);
	[tilespmem:s31+$0x1B6F0] =	vst v22  }
0x94: {  	v19 =	vadd.f32 v15, v19;
	v20 =	vld.idx.msk [tilespmem:v24+s5+$0x0], $0xffff;
	v15 =	vpop (erf);
	v22 =	vadd.f32 $1.000000000e+00, v14;
	(erf) = vrcp.f32 v27;
	[tilespmem:s31+$0x1B700] =	vst v18;
	s31 =	smov.u32 s2;
	s2 =	smov.u32 s11  }
0x95: {  	v18 =	vld.idx.msk [tilespmem:v25+s5+$0x0], $0xffff;
	v24 =	vmul.f32 v15, v8;
	v15 =	vadd.f32 v6, v13;
	(erf) = vrcp.f32 v12;
	v25 =	vpop (erf)  }
0x96: {  	v6 =	vmul.f32 $7.500000000e-01, v19;
	v33 =	vld.idx.msk [tilespmem:v37+s5+$0x0], $0xffff;
	(erf) = vrcp.f32 v19;
	v13 =	vadd.f32 $1.000000000e+00, v25;
	v27 =	vpop (erf)  }
0x97: {  	v12 =	vadd.f32 v23, v17;
	v23 =	vld.idx.msk [tilespmem:v45+s5+$0x0], $0xffff;
	v17 =	vmul.f32 $1.371428590e+01, v24;
	v24 =	vadd.f32 $1.000000000e+00, v27;
	v30 =	vpop (erf)  }
0x98: {  	v35 =	vmul.f32 v14, v10;
	v34 =	vld.idx.msk [tilespmem:v49+s5+$0x0], $0xffff;
	v36 =	vadd.f32 $1.000000000e+00, v30;
	(erf) = vrcp.f32 v22  }
0x99: {  	v10 =	vadd.f32 v26, v21;
	v22 =	vld.idx.msk [tilespmem:v32+s5+$0x0], $0xffff;
	v17 =	vsub.f32 $1.428571410e+01, v17;
	(erf) = vrcp.f32 v12  }
0x9a: {  	v12 =	vmul.f32 $7.500000000e-01, v12;
	v32 =	vadd.f32 v20, v28;
	v26 =	vld.idx.msk [tilespmem:v31+s5+$0x0], $0xffff;
	(erf) = vrcp.f32 v13  }
0x9b: {  	v14 =	vld [tilespmem:s2+$0x1A6A0];
	v31 =	vmul.f32 $1.442695020e+00, v17;
	(erf) = vrcp.f32 v10;
	v17 =	vadd.f32 v16, v5;
	v19 =	vpop (erf)  }
0x9c: {  	v16 =	vmul.f32 $7.500000000e-01, v10;
	v28 =	vadd.f32 v33, v18;
	v13 =	vld [tilespmem:s2+$0x1A6B0];
	(erf) = vrcp.f32 v32  }
.Ltmp0:
0x9d: {  	v10 =	vmul.f32 $7.500000000e-01, v32;
	v18 =	vadd.f32 v35, v4;
	v5 =	vld [tilespmem:s2+$0x1A6C0];
	(erf) = vpow2.f32 v31;
	v20 =	vpop (erf);
	(pc) =	sbr.rel @p1 .LBB2_3-.Ltmp0, $4  }
0x9e: {  	v32 =	vmul.f32 $7.500000000e-01, v28;
	v35 =	vadd.f32 v34, v23;
	v4 =	vld [tilespmem:s2+$0x1A6D0];
	(erf) = vrcp.f32 v28;
	v21 =	vpop (erf)  }
0x9f: {  	v34 =	vmul.f32 v25, v7;
	v28 =	vld [tilespmem:s2+$0x1A6E0];
	v33 =	vpop (erf);
	(erf) = vrcp.f32 v24  }
0xa0: {  	v25 =	vmul.f32 $7.500000000e-01, v35;
	v31 =	vadd.f32 v26, v22;
	v7 =	vmovc v32;
	v24 =	vld [tilespmem:s2+$0x1A6F0];
	(erf) = vrcp.f32 v35  }
0xa1: {  	s10 =	sadd.s32 $0x100, s10;
	v22 =	vadd.f32 v34, v29;
	v32 =	vmul.f32 v33, v13;
	v26 =	vld [tilespmem:s2+$0x1A700];
	v23 =	vpop (erf);
	(erf) = vrcp.f32 v36  }
0xa2: {  	v29 =	vpop (erf)  }
0xa3: {  	v33 =	vpop (erf);
	(erf) = vrcp.f32 v31  }
0xa4: {  	v29 =	vmul.f32 v29, v5;
	v32 =	vmul.f32 $1.371428590e+01, v32;
	v34 =	vpop (erf)  }
0xa5: {  	v34 =	vmul.f32 v34, v14;
	v35 =	vpop (erf)  }
0xa6: {  	v29 =	vmul.f32 $1.371428590e+01, v29;
	v32 =	vsub.f32 $1.428571410e+01, v32;
	v36 =	vpop (erf)  }
0xa7: {  	v35 =	vmul.f32 v35, v4;
	v34 =	vmul.f32 $1.371428590e+01, v34;
	v37 =	vpop (erf)  }
0xa8: {  	v38 =	vadd.f32 $1.000000000e+00, v36;
	v29 =	vsub.f32 $1.428571410e+01, v29;
	v32 =	vmul.f32 $1.442695020e+00, v32;
	v39 =	vpop (erf)  }
0xa9: {  	v35 =	vmul.f32 $1.371428590e+01, v35;
	v37 =	vmul.f32 v37, v28;
	v34 =	vsub.f32 $1.428571410e+01, v34;
	v40 =	vpop (erf)  }
0xaa: {  	(erf) = vrcp.f32 v38;
	v40 =	vmul.f32 v40, v24  }
0xab: {  	v29 =	vmul.f32 $1.442695020e+00, v29;
	v63 =	vpop (erf);
	v34 =	vmul.f32 $1.442695020e+00, v34  }
0xac: {  	v37 =	vmul.f32 $1.371428590e+01, v37;
	v35 =	vsub.f32 $1.428571410e+01, v35;
	v44 =	vpop (erf);
	v40 =	vmul.f32 $1.371428590e+01, v40  }
0xad: {  	(erf) = vpow2.f32 v34;
	v34 =	vmul.f32 v44, v26  }
0xae: {  	v45 =	vmul.f32 $1.442695020e+00, v35;
	(erf) = vpow2.f32 v32  }
0xaf: {  	v37 =	vsub.f32 $1.428571410e+01, v37;
	v34 =	vmul.f32 $1.371428590e+01, v34;
	(erf) = vpow2.f32 v29  }
0xb0: {  	v46 =	vsub.f32 $1.428571410e+01, v40;
	(erf) = vpow2.f32 v45  }
0xb1: {  	v29 =	vmul.f32 $1.442695020e+00, v37;
	v34 =	vsub.f32 $1.428571410e+01, v34  }
0xb2: {  	v3 =	vmul.f32 $7.500000000e-01, v3;
	v47 =	vmul.f32 $1.442695020e+00, v46  }
0xb3: {  	(erf) = vpow2.f32 v29;
	v34 =	vmul.f32 $1.442695020e+00, v34  }
0xb4: {  	(erf) = vpow2.f32 v47  }
0xb5: {  	v3 =	vmul.f32 v36, v3;
	v29 =	vpop (erf);
	(erf) = vpow2.f32 v34  }
0xb6: {  	v48 =	vpop (erf)  }
0xb7: {  	v3 =	vadd.f32 v3, v8;
	v50 =	vpop (erf)  }
0xb8: {  	v11 =	vmul.f32 v27, v11;
	v49 =	vadd.f32 $1.000000000e+00, v48;
	v8 =	vadd.f32 $1.000000000e+00, v50;
	v27 =	vpop (erf)  }
0xb9: {  	v2 =	vmul.f32 v30, v2;
	v9 =	vmul.f32 v19, v9;
	v30 =	vadd.f32 $1.000000000e+00, v27;
	v51 =	vpop (erf)  }
0xba: {  	v3 =	vmul.f32 v29, v3;
	(erf) = vrcp.f32 v49;
	v29 =	vadd.f32 $1.000000000e+00, v51  }
0xbb: {  	v15 =	vmul.f32 v20, v15;
	(erf) = vrcp.f32 v8  }
0xbc: {  	[tilespmem:s31+$0x1B6A0] =	vst v9;
	v9 =	vmul.f32 v23, v18;
	(erf) = vrcp.f32 v30;
	v8 =	vpop (erf)  }
0xbd: {  	v1 =	vadd.f32 v2, v1;
	[tilespmem:s2+$0x1B710] =	vst v3;
	v3 =	vmul.f32 v21, v17;
	v19 =	vadd.f32 $1.000000000e+00, v8;
	v30 =	vpop (erf)  }
0xbe: {  	v2 =	vmul.f32 v33, v22;
	(erf) = vrcp.f32 v29;
	v20 =	vadd.f32 $1.000000000e+00, v30;
	v29 =	vpop (erf)  }
0xbf: {  	[tilespmem:s31+$0x1B6C0] =	vst v3;
	v3 =	vmul.f32 v50, v6;
	v17 =	vadd.f32 $1.000000000e+00, v29;
	(erf) = vrcp.f32 v19  }
0xc0: {  	v0 =	vadd.f32 v11, v0;
	v11 =	vmul.f32 v48, v16;
	(erf) = vrcp.f32 v20  }
0xc1: {  	[tilespmem:s31+$0x1B6E0] =	vst v2;
	v2 =	vadd.f32 v3, v13;
	v3 =	vmul.f32 v51, v10;
	(erf) = vrcp.f32 v17  }
0xc2: {  	[tilespmem:s31+$0x1B6D0] =	vst v9;
	v0 =	vmul.f32 v39, v0;
	v9 =	vmul.f32 v27, v12  }
0xc3: {  	v1 =	vmul.f32 v63, v1;
	v6 =	vadd.f32 v11, v14;
	v7 =	vmul.f32 v8, v7;
	v10 =	vpop (erf)  }
0xc4: {  	v31 =	vmul.f32 $7.500000000e-01, v31;
	[tilespmem:s31+$0x1B6F0] =	vst v0;
	v0 =	vadd.f32 v9, v5;
	v5 =	vpop (erf)  }
0xc5: {  	[tilespmem:s31+$0x1B700] =	vst v1;
	v1 =	vadd.f32 v3, v4;
	v4 =	vmul.f32 v30, v25;
	v6 =	vmul.f32 v10, v6;
	v3 =	vpop (erf)  }
0xc6: {  	[tilespmem:s31+$0x1B6B0] =	vst v15;
	v2 =	vmul.f32 v5, v2;
	v0 =	vmul.f32 v3, v0  }
0xc7: {  	v8 =	vmul.f32 v29, v31;
	v5 =	vadd.f32 v7, v28;
	v7 =	vpop (erf);
	[tilespmem:s2+$0x1B6A0] =	vst v6  }
0xc8: {  	v4 =	vadd.f32 v4, v24;
	[tilespmem:s2+$0x1B6B0] =	vst v2;
	v1 =	vmul.f32 v7, v1;
	v3 =	vpop (erf)  }
0xc9: {  	v2 =	vadd.f32 v8, v26;
	[tilespmem:s2+$0x1B6C0] =	vst v0;
	v6 =	vpop (erf);
	v3 =	vmul.f32 v3, v5  }
0xca: {  	[tilespmem:s2+$0x1B6D0] =	vst v1;
	v0 =	vpop (erf);
	v4 =	vmul.f32 v6, v4  }
0xcb: {  	s0 =	sshll.u32 s0, $0x8;
	v0 =	vmul.f32 v0, v2;
	[tilespmem:s2+$0x1B6E0] =	vst v3  }
0xcc: {  	s0 =	sand.u32 $0x1FFFFF00, s0;
	[tilespmem:s2+$0x1B6F0] =	vst v4  }
0xcd: {  	s0 =	sadd.s32 s4, s0;
	[tilespmem:s2+$0x1B700] =	vst v0;
	s2 =	sadd.s32 s30, s13  }
0xce: {  	[hbm4b:s0+s5] =	stream.linear.scatter [tilespmem:s22], [sflag:$0x3], $0x800, $0x38;
	[tilespmem:$0x1C6A0] =	vst v63  }
0xcf: {  	s0 =	smin.u32 s2, $0xC34  }
0xd0: {  	s6 =	sshll.u32 s0, $0x9  }
0xd1: {  	s0 =	sshll.u32 s0, $0x8;
	s2 =	sadd.s32 s1, s6  }
0xd2: {  	[tilespmem:s16], [sflag:$0x1] =	stream.linear.gather [hbm4b:s2+s5], $0x1000, $0x38;
	[tilespmem:$0x1C6A0] =	vst v63  }
0xd3: {  	s0 =	sadd.s32 s3, s0  }
0xd4: {  	[tilespmem:s17], [sflag:$0x1] =	stream.linear.gather [hbm4b:s0+s5], $0x800, $0x38;
	[tilespmem:$0x1C6A0] =	vst v63  }
0xd5: {  	_ =	swait.ge [sflag:s23], $0x1000  }
0xd6: {  	[sflag:s23] =	ssyncset.done $0x0  }
0xd7: {  	[sflag:s23] =	ssyncadd.s32 $0xFFFFF000  }
0xd8: {  	_ =	swait.ge [sflag:s23], $0x800  }
0xd9: {  	[sflag:s23] =	ssyncset.done $0x0  }
0xda: {  	s0 =	simm.s32 @!p0 $0x4;
	[sflag:s23] =	ssyncadd.s32 $0xFFFFF800  }
0xdb: {  	_ =	swait.ge @!p0 [sflag:s0], $0x800  }
0xdc: {  	[sflag:s0] =	ssyncset.done @!p0 $0x0  }
0xdd: {  	s9 =	simm.s32 $0x19720;
	[sflag:s0] =	ssyncadd.s32 @!p0 $0xFFFFF800  }
0xde: {  	v0 =	vld [tilespmem:s9+$0xFFFFFFF0]  }
0xdf: {  	v1 =	vld [tilespmem:s9+$0x70]  }
0xe0: {  	v2 =	vld [tilespmem:s9+$0x0]  }
0xe1: {  	v3 =	vld [tilespmem:s9+$0xFFFFFF90]  }
0xe2: {  	v4 =	vld [tilespmem:s9+$0x10]  }
0xe3: {  	v5 =	vld [tilespmem:s9+$0xFFFFFFA0]  }
0xe4: {  	v6 =	vld [tilespmem:s9+$0x20]  }
0xe5: {  	v7 =	vld [tilespmem:s9+$0xFFFFFFB0]  }
0xe6: {  	v8 =	vld [tilespmem:s9+$0x30]  }
0xe7: {  	v9 =	vld [tilespmem:s9+$0xFFFFFFC0]  }
0xe8: {  	v10 =	vld [tilespmem:s9+$0x40]  }
0xe9: {  	v11 =	vld [tilespmem:s9+$0xFFFFFFD0]  }
0xea: {  	v12 =	vld [tilespmem:s9+$0x50]  }
0xeb: {  	v13 =	vld [tilespmem:s9+$0xFFFFFFE0]  }
0xec: {  	v14 =	vld [tilespmem:s9+$0x60]  }
0xed: {  	v0 =	vld.idx.msk [tilespmem:v0+s5+$0x0], $0xffff  }
0xee: {  	v1 =	vld.idx.msk [tilespmem:v1+s5+$0x0], $0xffff  }
0xef: {  	s31 =	simm.s32 $0x0;
	v15 =	vld [tilespmem:s9+$0xFFFFFF80]  }
0xf0: {  	v17 =	vld [tilespmem:s31+$0x1AEB0]  }
0xf1: {  	v18 =	vld [tilespmem:s31+$0x1AED0]  }
0xf2: {  	v22 =	vld [tilespmem:s31+$0x1AEE0]  }
0xf3: {  	v16 =	vadd.f32 v1, v0;
	v0 =	vld.idx.msk [tilespmem:v2+s5+$0x0], $0xffff  }
0xf4: {  	v1 =	vld.idx.msk [tilespmem:v3+s5+$0x0], $0xffff  }
0xf5: {  	v2 =	vld.idx.msk [tilespmem:v4+s5+$0x0], $0xffff;
	(erf) = vrcp.f32 v16  }
0xf6: {  	v3 =	vld.idx.msk [tilespmem:v5+s5+$0x0], $0xffff  }
0xf7: {  	v5 =	vld [tilespmem:s31+$0x1AF10]  }
0xf8: {  	v4 =	vld.idx.msk [tilespmem:v6+s5+$0x0], $0xffff  }
0xf9: {  	v6 =	vld.idx.msk [tilespmem:v7+s5+$0x0], $0xffff  }
0xfa: {  	v7 =	vld.idx.msk [tilespmem:v15+s5+$0x0], $0xffff  }
0xfb: {  	s10 =	simm.s32 $0x19820;
	v8 =	vld.idx.msk [tilespmem:v8+s5+$0x0], $0xffff  }
0xfc: {  	v20 =	vld [tilespmem:s10+$0xFFFFFF90]  }
0xfd: {  	v23 =	vld [tilespmem:s10+$0x10];
	v2 =	vadd.f32 v2, v1  }
0xfe: {  	v9 =	vld.idx.msk [tilespmem:v9+s5+$0x0], $0xffff;
	v3 =	vadd.f32 v4, v3;
	v15 =	vpop (erf)  }
0xff: {  	v10 =	vld.idx.msk [tilespmem:v10+s5+$0x0], $0xffff;
	v7 =	vadd.f32 v0, v7;
	(erf) = vrcp.f32 v2;
	v15 =	vmul.f32 v15, v5  }
0x100: {  	v11 =	vld.idx.msk [tilespmem:v11+s5+$0x0], $0xffff;
	v6 =	vadd.f32 v8, v6;
	(erf) = vrcp.f32 v3  }
0x101: {  	v12 =	vld.idx.msk [tilespmem:v12+s5+$0x0], $0xffff;
	(erf) = vrcp.f32 v7;
	v1 =	vmul.f32 $1.371428590e+01, v15  }
0x102: {  	v13 =	vld.idx.msk [tilespmem:v13+s5+$0x0], $0xffff;
	(erf) = vrcp.f32 v6  }
0x103: {  	v14 =	vld.idx.msk [tilespmem:v14+s5+$0x0], $0xffff;
	v0 =	vsub.f32 $1.428571410e+01, v1  }
0x104: {  	v25 =	vld [tilespmem:s10+$0xFFFFFFA0]  }
0x105: {  	v4 =	vld [tilespmem:s31+$0x1AEC0];
	v0 =	vmul.f32 $1.442695020e+00, v0  }
0x106: {  	v8 =	vadd.f32 v10, v9;
	v15 =	vld [tilespmem:s31+$0x1AEA0]  }
0x107: {  	v9 =	vadd.f32 v12, v11;
	v10 =	vld [tilespmem:s10+$0xFFFFFFF0];
	(erf) = vpow2.f32 v0  }
0x108: {  	v26 =	vld [tilespmem:s10+$0x20];
	v12 =	vadd.f32 v14, v13;
	v13 =	vmul.f32 $7.500000000e-01, v2;
	v2 =	vpop (erf);
	(erf) = vrcp.f32 v8  }
0x109: {  	v11 =	vld [tilespmem:s10+$0x70];
	v21 =	vmul.f32 $7.500000000e-01, v3;
	v19 =	vpop (erf);
	(erf) = vrcp.f32 v9  }
0x10a: {  	v28 =	vld [tilespmem:s10+$0xFFFFFFB0];
	v2 =	vmul.f32 v2, v17;
	v3 =	vmul.f32 v19, v4;
	v19 =	vpop (erf)  }
0x10b: {  	v52 =	vld [tilespmem:s10+$0xFFFFFFC0];
	v19 =	vmul.f32 v19, v15;
	v24 =	vpop (erf);
	(erf) = vrcp.f32 v12  }
0x10c: {  	v56 =	vld [tilespmem:s10+$0x50];
	v2 =	vmul.f32 $1.371428590e+01, v2;
	v24 =	vmul.f32 v24, v18  }
0x10d: {  	v14 =	vld [tilespmem:s10+$0x0];
	v3 =	vmul.f32 $1.371428590e+01, v3;
	v19 =	vmul.f32 $1.371428590e+01, v19  }
0x10e: {  	v0 =	vld [tilespmem:s31+$0x1AEF0];
	v2 =	vsub.f32 $1.428571410e+01, v2;
	v24 =	vmul.f32 $1.371428590e+01, v24  }
0x10f: {  	v10 =	vld.idx.msk [tilespmem:v10+s5+$0x0], $0xffff;
	v3 =	vsub.f32 $1.428571410e+01, v3;
	v19 =	vsub.f32 $1.428571410e+01, v19  }
0x110: {  	v16 =	vmul.f32 $7.500000000e-01, v16;
	v1 =	vld [tilespmem:s31+$0x1AF00];
	v2 =	vmul.f32 $1.442695020e+00, v2;
	v24 =	vsub.f32 $1.428571410e+01, v24;
	v27 =	vpop (erf)  }
0x111: {  	v11 =	vld.idx.msk [tilespmem:v11+s5+$0x0], $0xffff;
	v53 =	vmul.f32 $1.442695020e+00, v3;
	v19 =	vmul.f32 $1.442695020e+00, v19;
	v29 =	vadd.f32 $1.000000000e+00, v27;
	v30 =	vpop (erf)  }
0x112: {  	v54 =	vld [tilespmem:s10+$0x40];
	v24 =	vmul.f32 $1.442695020e+00, v24;
	v30 =	vmul.f32 v30, v22;
	v31 =	vpop (erf)  }
0x113: {  	v20 =	vld.idx.msk [tilespmem:v20+s5+$0x0], $0xffff;
	(erf) = vrcp.f32 v29;
	v29 =	vmul.f32 v31, v0  }
0x114: {  	v25 =	vld.idx.msk [tilespmem:v25+s5+$0x0], $0xffff;
	v3 =	vpop (erf);
	v30 =	vmul.f32 $1.371428590e+01, v30;
	(erf) = vpow2.f32 v19  }
0x115: {  	v59 =	vld.idx.msk [tilespmem:v56+s5+$0x0], $0xffff;
	v55 =	vmul.f32 v3, v1;
	(erf) = vpow2.f32 v2  }
0x116: {  	v14 =	vld.idx.msk [tilespmem:v14+s5+$0x0], $0xffff;
	v3 =	vadd.f32 v11, v10;
	v29 =	vmul.f32 $1.371428590e+01, v29;
	(erf) = vpow2.f32 v53  }
0x117: {  	v57 =	vmul.f32 $7.500000000e-01, v6;
	v31 =	vld [tilespmem:s10+$0x30];
	v2 =	vsub.f32 $1.428571410e+01, v30;
	(erf) = vpow2.f32 v24  }
0x118: {  	v11 =	vmul.f32 $1.371428590e+01, v55;
	v10 =	vsub.f32 $1.428571410e+01, v29;
	v24 =	vld [tilespmem:s10+$0xFFFFFF80];
	(erf) = vrcp.f32 v3  }
0x119: {  	v7 =	vmul.f32 $7.500000000e-01, v7;
	v19 =	vld [tilespmem:s10+$0xFFFFFFD0];
	v2 =	vmul.f32 $1.442695020e+00, v2  }
0x11a: {  	v16 =	vmul.f32 v27, v16;
	v30 =	vld [tilespmem:s10+$0xFFFFFFE0];
	v6 =	vsub.f32 $1.428571410e+01, v11;
	v10 =	vmul.f32 $1.442695020e+00, v10  }
0x11b: {  	v29 =	vld [tilespmem:s10+$0x60];
	v11 =	vmul.f32 $7.500000000e-01, v9;
	(erf) = vpow2.f32 v2  }
0x11c: {  	s2 =	simm.s32 $0x80;
	v6 =	vmul.f32 $1.442695020e+00, v6;
	(erf) = vpow2.f32 v10;
	v10 =	vld.idx.msk [tilespmem:v23+s5+$0x0], $0xffff;
	v27 =	vpop (erf)  }
0x11d: {  	v5 =	vadd.f32 v16, v5;
	v2 =	vmul.f32 $7.500000000e-01, v12;
	v23 =	vmul.f32 $7.500000000e-01, v8;
	v8 =	vld [tilespmem:s2+$0x1AF10];
	v9 =	vpop (erf)  }
0x11e: {  	v12 =	vld.idx.msk [tilespmem:v26+s5+$0x0], $0xffff;
	(erf) = vpow2.f32 v6;
	v6 =	vmul.f32 v9, v7;
	v7 =	vadd.f32 $1.000000000e+00, v9;
	v9 =	vpop (erf)  }
0x11f: {  	v26 =	vmul.f32 v27, v5;
	v5 =	vld.idx.msk [tilespmem:v28+s5+$0x0], $0xffff;
	v13 =	vmul.f32 v9, v13;
	v16 =	vadd.f32 $1.000000000e+00, v9;
	v27 =	vpop (erf)  }
0x120: {  	(erf) = vrcp.f32 v7;
	v7 =	vld.idx.msk [tilespmem:v24+s5+$0x0], $0xffff;
	v9 =	vadd.f32 v6, v15;
	v6 =	vadd.f32 $1.000000000e+00, v27;
	v24 =	vpop (erf)  }
0x121: {  	v28 =	vld.idx.msk [tilespmem:v52+s5+$0x0], $0xffff;
	v21 =	vmul.f32 v27, v21;
	v10 =	vadd.f32 v10, v20;
	v15 =	vpop (erf);
	(erf) = vrcp.f32 v16  }
0x122: {  	v20 =	vld.idx.msk [tilespmem:v31+s5+$0x0], $0xffff;
	v16 =	vadd.f32 $1.000000000e+00, v24;
	v24 =	vmul.f32 v24, v57;
	v31 =	vmul.f32 v15, v8  }
0x123: {  	v12 =	vadd.f32 v12, v25;
	v25 =	vld.idx.msk [tilespmem:v19+s5+$0x0], $0xffff;
	(erf) = vrcp.f32 v6;
	v6 =	vmul.f32 $7.500000000e-01, v10  }
0x124: {  	v15 =	vadd.f32 v13, v17;
	v17 =	vld.idx.msk [tilespmem:v54+s5+$0x0], $0xffff;
	v58 =	vpop (erf);
	(erf) = vrcp.f32 v10;
	v13 =	vmul.f32 $1.371428590e+01, v31  }
0x125: {  	v18 =	vadd.f32 v24, v18;
	v10 =	vadd.f32 $1.000000000e+00, v58;
	v27 =	vpop (erf);
	(erf) = vrcp.f32 v16  }
0x126: {  	v60 =	vld.idx.msk [tilespmem:v30+s5+$0x0], $0xffff;
	v7 =	vadd.f32 v14, v7;
	(erf) = vrcp.f32 v12;
	v13 =	vsub.f32 $1.428571410e+01, v13  }
0x127: {  	v29 =	vld.idx.msk [tilespmem:v29+s5+$0x0], $0xffff;
	v23 =	vmul.f32 v58, v23;
	v30 =	vpop (erf);
	v20 =	vadd.f32 v20, v5;
	(erf) = vrcp.f32 v10  }
0x128: {  	[tilespmem:s31+$0x1BF10] =	vst v26;
	v26 =	vld [tilespmem:s2+$0x1AF00];
	v34 =	vadd.f32 v59, v25;
	(erf) = vrcp.f32 v7;
	v62 =	vmul.f32 $1.442695020e+00, v13  }
0x129: {  	v12 =	vmul.f32 $7.500000000e-01, v12;
	v28 =	vadd.f32 v17, v28;
	v13 =	vld [tilespmem:s2+$0x1AEB0];
	(erf) = vrcp.f32 v20  }
0x12a: {  	v24 =	vld [tilespmem:s2+$0x1AEF0];
	v31 =	vadd.f32 $1.000000000e+00, v27;
	v25 =	vmul.f32 $7.500000000e-01, v34;
	v19 =	vpop (erf);
	(erf) = vpow2.f32 v62  }
0x12b: {  	v5 =	vld [tilespmem:s2+$0x1AEC0];
	v61 =	vadd.f32 $1.000000000e+00, v30;
	v10 =	vmul.f32 $7.500000000e-01, v20;
	v20 =	vpop (erf);
	(erf) = vrcp.f32 v28  }
0x12c: {  	v14 =	vld [tilespmem:s2+$0x1AEA0];
	v16 =	vmul.f32 $7.500000000e-01, v7;
	v17 =	vadd.f32 v21, v4;
	v21 =	vpop (erf);
	(erf) = vrcp.f32 v31  }
0x12d: {  	s11 =	sadd.s32 s30, s8;
	s6 =	simm.s32 $0x8;
	v4 =	vld [tilespmem:s2+$0x1AED0];
	v7 =	vmul.f32 $7.500000000e-01, v28;
	v63 =	vpop (erf);
	v31 =	vadd.f32 v29, v60;
	(erf) = vrcp.f32 v34  }
0x12e: {  	s0 =	smin.u32 s11, $0xC34;
	s9 =	simm.s32 $0x200;
	s10 =	simm.s32 $0x19920;
	v22 =	vadd.f32 v23, v22;
	v28 =	vld [tilespmem:s2+$0x1AEE0];
	v32 =	vmul.f32 v63, v13;
	v23 =	vpop (erf);
	(erf) = vrcp.f32 v61  }
.LBB2_5:
0x12f: {  	v33 =	vld [tilespmem:s10+$0xFFFFFFF0];
	v29 =	vmul.f32 $7.500000000e-01, v31;
	v34 =	vpop (erf);
	(erf) = vrcp.f32 v31  }
0x130: {  	s6 =	sadd.s32 $0x8, s6;
	v31 =	vld [tilespmem:s10+$0x70];
	v32 =	vmul.f32 $1.371428590e+01, v32;
	v34 =	vmul.f32 v34, v5;
	v35 =	vpop (erf)  }
0x131: {  	v11 =	vmul.f32 v27, v11;
	v27 =	vmul.f32 v30, v2;
	p0 =	slt.u32 s6, $0x78;
	v36 =	vld [tilespmem:s10+$0x0];
	v37 =	vpop (erf);
	v2 =	vmov v29  }
0x132: {  	v30 =	vld [tilespmem:s10+$0xFFFFFF90];
	v42 =	vmul.f32 v37, v14;
	v32 =	vsub.f32 $1.428571410e+01, v32;
	v34 =	vmul.f32 $1.371428590e+01, v34;
	v37 =	vpop (erf)  }
0x133: {  	v40 =	vadd.f32 v11, v0;
	v27 =	vadd.f32 v27, v1;
	v38 =	vld [tilespmem:s10+$0x10];
	v37 =	vmul.f32 v37, v4;
	v39 =	vpop (erf)  }
0x134: {  	v41 =	vld [tilespmem:s10+$0xFFFFFFA0];
	v0 =	vmul.f32 $1.371428590e+01, v42;
	v1 =	vsub.f32 $1.428571410e+01, v34;
	v11 =	vadd.f32 $1.000000000e+00, v39;
	v29 =	vpop (erf)  }
0x135: {  	v34 =	vld [tilespmem:s10+$0x20];
	v37 =	vmul.f32 $1.371428590e+01, v37;
	v42 =	vmul.f32 v29, v28;
	v43 =	vpop (erf);
	v29 =	vmov v28  }
0x136: {  	v32 =	vmul.f32 $1.442695020e+00, v32;
	v28 =	vld [tilespmem:s10+$0xFFFFFFB0];
	v47 =	vsub.f32 $1.428571410e+01, v0;
	v44 =	vpop (erf);
	(erf) = vrcp.f32 v11  }
0x137: {  	v33 =	vld.idx.msk [tilespmem:v33+s5+$0x0], $0xffff;
	v37 =	vsub.f32 $1.428571410e+01, v37;
	v49 =	vmul.f32 $1.371428590e+01, v42;
	v42 =	vmul.f32 v44, v24;
	v44 =	vpop (erf)  }
0x138: {  	v46 =	vmul.f32 $1.442695020e+00, v1;
	v31 =	vld.idx.msk [tilespmem:v31+s5+$0x0], $0xffff;
	v45 =	vmul.f32 $1.442695020e+00, v47;
	v1 =	vpop (erf);
	v0 =	vmov v24  }
0x139: {  	v11 =	vmovc v25;
	v24 =	vld [tilespmem:s10+$0x30];
	v47 =	vsub.f32 $1.428571410e+01, v49;
	v42 =	vmul.f32 $1.371428590e+01, v42;
	v48 =	vmul.f32 v1, v26;
	v1 =	vmovc v26  }
0x13a: {  	v3 =	vmul.f32 $7.500000000e-01, v3;
	v26 =	vmul.f32 $1.442695020e+00, v37;
	v25 =	vld [tilespmem:s10+$0xFFFFFFC0]  }
0x13b: {  	v37 =	vld [tilespmem:s10+$0x40];
	v42 =	vsub.f32 $1.428571410e+01, v42;
	v48 =	vmul.f32 $1.371428590e+01, v48;
	(erf) = vpow2.f32 v45  }
0x13c: {  	v39 =	vmul.f32 v39, v3;
	v47 =	vmul.f32 $1.442695020e+00, v47;
	v45 =	vld [tilespmem:s10+$0xFFFFFFD0]  }
0x13d: {  	v49 =	vld [tilespmem:s10+$0x50];
	v42 =	vmul.f32 $1.442695020e+00, v42;
	v48 =	vsub.f32 $1.428571410e+01, v48;
	(erf) = vpow2.f32 v32  }
0x13e: {  	v8 =	vadd.f32 v39, v8;
	v3 =	vadd.f32 v31, v33;
	v32 =	vld [tilespmem:s10+$0xFFFFFFE0];
	(erf) = vpow2.f32 v46  }
0x13f: {  	v31 =	vld [tilespmem:s10+$0x60];
	v33 =	vmul.f32 $1.442695020e+00, v48;
	(erf) = vpow2.f32 v26;
	v26 =	vpop (erf)  }
0x140: {  	v39 =	vld [tilespmem:s10+$0xFFFFFF80];
	(erf) = vrcp.f32 v3;
	v8 =	vmul.f32 v26, v8  }
0x141: {  	v9 =	vmul.f32 v19, v9;
	v26 =	vld.idx.msk [tilespmem:v36+s5+$0x0], $0xffff;
	(erf) = vpow2.f32 v47  }
0x142: {  	v19 =	vld.idx.msk [tilespmem:v30+s5+$0x0], $0xffff;
	[tilespmem:s2+$0x1BF10] =	vst v8;
	(erf) = vpow2.f32 v42;
	v8 =	vmul.f32 v20, v15  }
0x143: {  	s9 =	sadd.s32 $0x200, s9;
	v30 =	vmul.f32 v21, v17;
	v15 =	vld.idx.msk [tilespmem:v38+s5+$0x0], $0xffff;
	(erf) = vpow2.f32 v33;
	[tilespmem:s31+$0x1BEA0] =	vst v9  }
0x144: {  	v18 =	vmul.f32 v23, v18;
	s11 =	sshra.s32 s9, $0x2;
	v21 =	vmul.f32 v35, v22;
	v17 =	vld.idx.msk [tilespmem:v41+s5+$0x0], $0xffff;
	v20 =	vpop (erf);
	[tilespmem:s31+$0x1BEB0] =	vst v8  }
0x145: {  	v22 =	vmul.f32 v43, v40;
	v8 =	vld [tilespmem:s11+$0x1AF10];
	v16 =	vmul.f32 v20, v16;
	v33 =	vadd.f32 $1.000000000e+00, v20;
	[tilespmem:s31+$0x1BEC0] =	vst v30  }
0x146: {  	v23 =	vld.idx.msk [tilespmem:v34+s5+$0x0], $0xffff;
	v9 =	vpop (erf);
	[tilespmem:s31+$0x1BED0] =	vst v18;
	v18 =	vmul.f32 v44, v27  }
0x147: {  	v28 =	vld.idx.msk [tilespmem:v28+s5+$0x0], $0xffff;
	v6 =	vmul.f32 v9, v6;
	v27 =	vadd.f32 $1.000000000e+00, v9;
	(erf) = vrcp.f32 v33;
	v20 =	vpop (erf);
	[tilespmem:s31+$0x1BEE0] =	vst v21  }
0x148: {  	v9 =	vadd.f32 v16, v14;
	v21 =	vld.idx.msk [tilespmem:v39+s5+$0x0], $0xffff;
	v16 =	vmul.f32 v20, v12;
	v12 =	vadd.f32 $1.000000000e+00, v20;
	v14 =	vpop (erf);
	[tilespmem:s31+$0x1BEF0] =	vst v22  }
0x149: {  	v19 =	vadd.f32 v15, v19;
	v20 =	vld.idx.msk [tilespmem:v24+s5+$0x0], $0xffff;
	v15 =	vpop (erf);
	v22 =	vadd.f32 $1.000000000e+00, v14;
	(erf) = vrcp.f32 v27;
	[tilespmem:s31+$0x1BF00] =	vst v18;
	s31 =	smov.u32 s2;
	s2 =	smov.u32 s11  }
0x14a: {  	v18 =	vld.idx.msk [tilespmem:v25+s5+$0x0], $0xffff;
	v24 =	vmul.f32 v15, v8;
	v15 =	vadd.f32 v6, v13;
	(erf) = vrcp.f32 v12;
	v25 =	vpop (erf)  }
0x14b: {  	v6 =	vmul.f32 $7.500000000e-01, v19;
	v33 =	vld.idx.msk [tilespmem:v37+s5+$0x0], $0xffff;
	(erf) = vrcp.f32 v19;
	v13 =	vadd.f32 $1.000000000e+00, v25;
	v27 =	vpop (erf)  }
0x14c: {  	v12 =	vadd.f32 v23, v17;
	v23 =	vld.idx.msk [tilespmem:v45+s5+$0x0], $0xffff;
	v17 =	vmul.f32 $1.371428590e+01, v24;
	v24 =	vadd.f32 $1.000000000e+00, v27;
	v30 =	vpop (erf)  }
0x14d: {  	v35 =	vmul.f32 v14, v10;
	v34 =	vld.idx.msk [tilespmem:v49+s5+$0x0], $0xffff;
	v36 =	vadd.f32 $1.000000000e+00, v30;
	(erf) = vrcp.f32 v22  }
0x14e: {  	v10 =	vadd.f32 v26, v21;
	v22 =	vld.idx.msk [tilespmem:v32+s5+$0x0], $0xffff;
	v17 =	vsub.f32 $1.428571410e+01, v17;
	(erf) = vrcp.f32 v12  }
0x14f: {  	v12 =	vmul.f32 $7.500000000e-01, v12;
	v32 =	vadd.f32 v20, v28;
	v26 =	vld.idx.msk [tilespmem:v31+s5+$0x0], $0xffff;
	(erf) = vrcp.f32 v13  }
0x150: {  	v14 =	vld [tilespmem:s2+$0x1AEA0];
	v31 =	vmul.f32 $1.442695020e+00, v17;
	(erf) = vrcp.f32 v10;
	v17 =	vadd.f32 v16, v5;
	v19 =	vpop (erf)  }
0x151: {  	v16 =	vmul.f32 $7.500000000e-01, v10;
	v28 =	vadd.f32 v33, v18;
	v13 =	vld [tilespmem:s2+$0x1AEB0];
	(erf) = vrcp.f32 v32  }
.Ltmp1:
0x152: {  	v10 =	vmul.f32 $7.500000000e-01, v32;
	v18 =	vadd.f32 v35, v4;
	v5 =	vld [tilespmem:s2+$0x1AEC0];
	(erf) = vpow2.f32 v31;
	v20 =	vpop (erf);
	(pc) =	sbr.rel @p0 .LBB2_5-.Ltmp1, $4  }
0x153: {  	v32 =	vmul.f32 $7.500000000e-01, v28;
	v35 =	vadd.f32 v34, v23;
	v4 =	vld [tilespmem:s2+$0x1AED0];
	(erf) = vrcp.f32 v28;
	v21 =	vpop (erf)  }
0x154: {  	v34 =	vmul.f32 v25, v7;
	v28 =	vld [tilespmem:s2+$0x1AEE0];
	v33 =	vpop (erf);
	(erf) = vrcp.f32 v24  }
0x155: {  	v25 =	vmul.f32 $7.500000000e-01, v35;
	v31 =	vadd.f32 v26, v22;
	v7 =	vmovc v32;
	v24 =	vld [tilespmem:s2+$0x1AEF0];
	(erf) = vrcp.f32 v35  }
0x156: {  	s10 =	sadd.s32 $0x100, s10;
	v22 =	vadd.f32 v34, v29;
	v32 =	vmul.f32 v33, v13;
	v26 =	vld [tilespmem:s2+$0x1AF00];
	v23 =	vpop (erf);
	(erf) = vrcp.f32 v36  }
0x157: {  	v29 =	vpop (erf)  }
0x158: {  	(erf) = vrcp.f32 v31;
	v33 =	vpop (erf)  }
0x159: {  	v34 =	vpop (erf)  }
0x15a: {  	v34 =	vmul.f32 v34, v14;
	v35 =	vpop (erf)  }
0x15b: {  	v36 =	vpop (erf)  }
0x15c: {  	v29 =	vmul.f32 v29, v5;
	v34 =	vmul.f32 $1.371428590e+01, v34;
	v38 =	vadd.f32 $1.000000000e+00, v36  }
0x15d: {  	v35 =	vmul.f32 v35, v4;
	v37 =	vpop (erf)  }
0x15e: {  	v32 =	vmul.f32 $1.371428590e+01, v32;
	v29 =	vmul.f32 $1.371428590e+01, v29;
	v39 =	vpop (erf);
	v34 =	vsub.f32 $1.428571410e+01, v34  }
0x15f: {  	v35 =	vmul.f32 $1.371428590e+01, v35;
	v37 =	vmul.f32 v37, v28;
	v40 =	vpop (erf)  }
0x160: {  	(erf) = vrcp.f32 v38;
	v34 =	vmul.f32 $1.442695020e+00, v34;
	v38 =	vpop (erf)  }
0x161: {  	v32 =	vsub.f32 $1.428571410e+01, v32;
	v40 =	vmul.f32 v40, v24;
	v37 =	vmul.f32 $1.371428590e+01, v37;
	v48 =	vpop (erf)  }
0x162: {  	v29 =	vsub.f32 $1.428571410e+01, v29;
	(erf) = vpow2.f32 v34;
	v34 =	vmul.f32 v48, v26  }
0x163: {  	v32 =	vmul.f32 $1.442695020e+00, v32;
	v35 =	vsub.f32 $1.428571410e+01, v35;
	v40 =	vmul.f32 $1.371428590e+01, v40  }
0x164: {  	v29 =	vmul.f32 $1.442695020e+00, v29;
	v37 =	vsub.f32 $1.428571410e+01, v37;
	v34 =	vmul.f32 $1.371428590e+01, v34  }
0x165: {  	v49 =	vmul.f32 $1.442695020e+00, v35;
	(erf) = vpow2.f32 v32;
	v50 =	vsub.f32 $1.428571410e+01, v40  }
0x166: {  	v51 =	vmul.f32 $1.442695020e+00, v37;
	(erf) = vpow2.f32 v29;
	v34 =	vsub.f32 $1.428571410e+01, v34  }
0x167: {  	(erf) = vpow2.f32 v49;
	v52 =	vmul.f32 $1.442695020e+00, v50  }
0x168: {  	(erf) = vpow2.f32 v51;
	v34 =	vmul.f32 $1.442695020e+00, v34  }
0x169: {  	(erf) = vpow2.f32 v52  }
0x16a: {  	(erf) = vpow2.f32 v34;
	_ =	sdelay $0x1  }
0x16b: {  	v53 =	vpop (erf)  }
0x16c: {  	v54 =	vpop (erf)  }
0x16d: {  	v3 =	vmul.f32 $7.500000000e-01, v3;
	v31 =	vmul.f32 $7.500000000e-01, v31;
	v55 =	vadd.f32 $1.000000000e+00, v54;
	v56 =	vpop (erf)  }
0x16e: {  	v11 =	vmul.f32 v27, v11;
	v2 =	vmul.f32 v30, v2;
	v57 =	vadd.f32 $1.000000000e+00, v56;
	v58 =	vpop (erf)  }
0x16f: {  	v9 =	vmul.f32 v19, v9;
	(erf) = vrcp.f32 v55;
	v59 =	vadd.f32 $1.000000000e+00, v58;
	v60 =	vpop (erf)  }
0x170: {  	v15 =	vmul.f32 v20, v15;
	v61 =	vadd.f32 $1.000000000e+00, v60;
	(erf) = vrcp.f32 v57;
	v62 =	vpop (erf)  }
0x171: {  	v3 =	vmul.f32 v36, v3;
	(erf) = vrcp.f32 v59;
	v63 =	vadd.f32 $1.000000000e+00, v62;
	v36 =	vpop (erf)  }
0x172: {  	v41 =	vmul.f32 v21, v17;
	v37 =	vadd.f32 $1.000000000e+00, v36;
	(erf) = vrcp.f32 v61;
	v40 =	vpop (erf)  }
0x173: {  	v43 =	vmul.f32 v23, v18;
	[tilespmem:s31+$0x1BEA0] =	vst v9;
	(erf) = vrcp.f32 v63;
	v42 =	vadd.f32 $1.000000000e+00, v40  }
0x174: {  	v0 =	vadd.f32 v11, v0;
	[tilespmem:s31+$0x1BEB0] =	vst v15;
	v45 =	vmul.f32 v33, v22;
	(erf) = vrcp.f32 v37  }
0x175: {  	v1 =	vadd.f32 v2, v1;
	[tilespmem:s31+$0x1BEC0] =	vst v41;
	v44 =	vmul.f32 v54, v16;
	(erf) = vrcp.f32 v42  }
0x176: {  	[tilespmem:s31+$0x1BED0] =	vst v43;
	v3 =	vadd.f32 v3, v8;
	v0 =	vmul.f32 v39, v0;
	v46 =	vmul.f32 v56, v6  }
0x177: {  	[tilespmem:s31+$0x1BEE0] =	vst v45;
	v1 =	vmul.f32 v38, v1;
	v47 =	vadd.f32 v44, v14;
	v48 =	vmul.f32 v58, v12  }
0x178: {  	[tilespmem:s31+$0x1BEF0] =	vst v0;
	v3 =	vmul.f32 v53, v3;
	v49 =	vadd.f32 v46, v13;
	v50 =	vmul.f32 v60, v10;
	v51 =	vpop (erf)  }
0x179: {  	[tilespmem:s31+$0x1BF00] =	vst v1;
	v52 =	vadd.f32 v48, v5;
	v7 =	vmul.f32 v62, v7;
	v53 =	vpop (erf);
	v6 =	vmul.f32 v51, v47  }
0x17a: {  	[tilespmem:s2+$0x1BF10] =	vst v3;
	v54 =	vadd.f32 v50, v4;
	v56 =	vmul.f32 v36, v25;
	v55 =	vpop (erf);
	v2 =	vmul.f32 v53, v49  }
0x17b: {  	v57 =	vadd.f32 v7, v28;
	v59 =	vmul.f32 v40, v31;
	v58 =	vpop (erf);
	[tilespmem:s2+$0x1BEA0] =	vst v6;
	v0 =	vmul.f32 v55, v52  }
0x17c: {  	v4 =	vadd.f32 v56, v24;
	v60 =	vpop (erf);
	[tilespmem:s2+$0x1BEB0] =	vst v2;
	v1 =	vmul.f32 v58, v54  }
0x17d: {  	v61 =	vadd.f32 v59, v26;
	v62 =	vpop (erf);
	v3 =	vmul.f32 v60, v57;
	[tilespmem:s2+$0x1BEC0] =	vst v0  }
0x17e: {  	v4 =	vmul.f32 v62, v4;
	[tilespmem:s2+$0x1BED0] =	vst v1;
	v63 =	vpop (erf)  }
0x17f: {  	[tilespmem:s2+$0x1BEE0] =	vst v3;
	v0 =	vmul.f32 v63, v61  }
0x180: {  	s0 =	sshll.u32 s0, $0x8;
	[tilespmem:s2+$0x1BEF0] =	vst v4  }
0x181: {  	s30 =	sadd.s32 s30, s14;
	s29 =	sadd.s32 $0x1, s29;
	s0 =	sadd.s32 s4, s0;
	[tilespmem:s2+$0x1BF00] =	vst v0  }
0x182: {  	[hbm4b:s0+s5] =	stream.linear.scatter [tilespmem:s24], [sflag:$0x4], $0x800, $0x38;
	[tilespmem:$0x1C6A0] =	vst v63  }
0x183: {  	p0 =	sne.s32 s29, $0x31;
	s0 =	smin.u32 s30, $0xC34  }
.Ltmp2:
0x184: {  	s31 =	sshll.u32 s0, $0x9;
	(pc) =	sbr.rel @p0 .LBB2_2-.Ltmp2, $4  }
0x185: {  	s0 =	sshll.u32 s0, $0x8;
	s2 =	sadd.s32 s1, s31  }
0x186: {  	[tilespmem:s18], [sflag:$0x2] =	stream.linear.gather [hbm4b:s2+s5], $0x1000, $0x38;
	[tilespmem:$0x1C6A0] =	vst v63  }
0x187: {  	s0 =	sadd.s32 s3, s0  }
0x188: {  	[tilespmem:s19], [sflag:$0x2] =	stream.linear.gather [hbm4b:s0+s5], $0x800, $0x38;
	[tilespmem:$0x1C6A0] =	vst v63  }
0x189: {  	_ =	swait.ge [sflag:s21], $0x1000  }
0x18a: {  	[sflag:s21] =	ssyncset.done $0x0  }
0x18b: {  	[sflag:s21] =	ssyncadd.s32 $0xFFFFF000  }
0x18c: {  	_ =	swait.ge [sflag:s21], $0x800  }
0x18d: {  	[sflag:s21] =	ssyncset.done $0x0  }
0x18e: {  	[sflag:s21] =	ssyncadd.s32 $0xFFFFF800  }
0x18f: {  	_ =	swait.ge [sflag:s23], $0x1000  }
0x190: {  	[sflag:s23] =	ssyncset.done $0x0  }
0x191: {  	[sflag:s23] =	ssyncadd.s32 $0xFFFFF000  }
0x192: {  	_ =	swait.ge [sflag:s23], $0x800  }
0x193: {  	[sflag:s23] =	ssyncset.done $0x0  }
0x194: {  	s28 =	sadd.s32 $0x1, s28;
	[sflag:s23] =	ssyncadd.s32 $0xFFFFF800  }
0x195: {  	p0 =	sne.s32 s28, s15;
	_ =	swait.ge [sflag:s25], $0x800  }
.Ltmp3:
0x196: {  	[sflag:s25] =	ssyncset.done $0x0;
	(pc) =	sbr.rel @p0 .LBB2_1-.Ltmp3, $4  }
0x197: {  	[sflag:s25] =	ssyncadd.s32 $0xFFFFF800  }
0x198: {  	_ =	swait.ge [sflag:s26], $0x800  }
0x199: {  	[sflag:s26] =	ssyncset.done $0x0  }
0x19a: {  	[sflag:s26] =	ssyncadd.s32 $0xFFFFF800  }
0x19b: {  	_ =	sfence.sel $0x180000  }
0x19c: {  	[bflag:$0x0] =	sbarrier.arrive $0xFFFF  }
0x19d: {  	_ =	strace $0x90000047  }
0x19e: {  	s0 =	stileid.u32;
	[bflag:$0x2] =	sbarrier.arrive $0xFFFF  }
0x19f: {  	p0 =	sne.s32 s0, $0x0;
	s0 =	rddreg [dreg:$0x4]  }
0x1a0: {  	s0 =	sadd.s32 @!p0 $0x100000, s0  }
0x1a1: {  	[sflag:s0] =	ssyncadd.tile.s32 @!p0 $0x1;
	_ =	shalt  }
.Lfunc_end2:
_tile_overlayer_lowered:
.L_overlay_start_2:
0x1a2: {  	(tag) =	ssettag $0x2  }
0x1a3: {  	s0 =	rddreg [dreg:$0x0];
	s2 =	stileid.u32  }
0x1a4: {  	s1 =	rddreg [dreg:$0x1];
	p0 =	sne.s32 s2, $0x0  }
0x1a5: {  	s3 =	rddreg [dreg:$0x2];
	[bflag:$0x3] =	sbarrier.arrive $0xFFFF;
	s2 =	simm.s32 @!p0 $0x1C06  }
0x1a6: {  	[timem:s3], [sflag:s2] =	dma.local @!p0 [hbm:s0], s1  }
0x1a7: {  	s0 =	simm.s32 @!p0 $0x6  }
0x1a8: {  	_ =	swait.ge @!p0 [sflag:s0], s1  }
0x1a9: {  	s1 =	ssub.s32 @!p0 $0x0, s1;
	[sflag:s0] =	ssyncset.done @!p0 $0x0  }
0x1aa: {  	[sflag:s0] =	ssyncadd.s32 @!p0 s1  }
0x1ab: {  	[bflag:$0x3] =	sbarrier.arrive $0xFFFF  }
0x1ac: {  	_ =	shalt  }

</sc_bundles>
